<compile_context>
chip_gen: v7x
topology: tpu7x:2x2x1
jax: 0.10.2.dev20260603
libtpu: 0.0.44.dev20260713+nightly
codegen_flags: <defaults>
</compile_context>

<pallas_src>
import functools

import jax
import jax.numpy as jnp
from jax import lax
from jax.experimental import pallas as pl
from jax.experimental.pallas import tpu as pltpu
from jax.experimental.pallas import tpu_sc as plsc

_NC = 2
_NS = 16
_NW = _NC * _NS
_LANES = 16
_CHUNK = 128


def _build_sc_kernel(N, L, H, P, n_pat):
    assert N % (_NW * _CHUNK) == 0
    rows_per_w = N // _NW
    assert rows_per_w % L == 0
    n_chunks = rows_per_w // _CHUNK

    mesh = plsc.VectorSubcoreMesh(core_axis_name="c", subcore_axis_name="s")

    @functools.partial(
        pl.kernel,
        out_type=jax.ShapeDtypeStruct((N, H), jnp.float32),
        mesh=mesh,
        scratch_types=[
            pltpu.VMEM((4, 2, _CHUNK), jnp.int32),
            pltpu.VMEM((5, _CHUNK, H), jnp.float32),
            pltpu.VMEM((n_pat, _CHUNK), jnp.int32),
            pltpu.VMEM((L, H), jnp.float32),
            pltpu.VMEM((H,), jnp.float32),
            pltpu.VMEM_SHARED((L, H), jnp.float32),
            pltpu.VMEM_SHARED((P, H), jnp.float32),
            pltpu.SemaphoreType.DMA,
            pltpu.SemaphoreType.DMA,
            pltpu.SemaphoreType.DMA,
            pltpu.SemaphoreType.DMA,
            pltpu.SemaphoreType.DMA,
        ],
    )
    def sc_embed(ids_hbm, pidx_hbm, word_hbm, pos_hbm, tt_hbm, spk_hbm,
                 out_hbm, idx_v, obuf, pidx_v, posbuf, ttbuf,
                 pos_sp, spk_sp, sem_i, sem_w, sem_s, sem_p, sem_o):
        wid = lax.axis_index("s") * _NC + lax.axis_index("c")
        wbase = wid * rows_per_w

        @pl.when(lax.axis_index("s") == 0)
        def _():
            pltpu.sync_copy(spk_hbm, spk_sp)
            pltpu.sync_copy(pos_hbm.at[pl.ds(0, L)], posbuf)
            pltpu.sync_copy(tt_hbm.at[0], ttbuf)

            @plsc.parallel_loop(0, L, unroll=2)
            def _(r):
                for c in range(H // _LANES):
                    sl = pl.ds(c * _LANES, _LANES)
                    posbuf[r, sl] = posbuf[r, sl] + ttbuf[sl]

            pltpu.sync_copy(posbuf, pos_sp)

        pltpu.sync_copy(pidx_hbm, pidx_v)

        plsc.subcore_barrier()

        def fetch_ids(ck):
            si = lax.rem(ck, 4)
            rowbase = wbase + ck * _CHUNK
            pltpu.async_copy(ids_hbm.at[:, pl.ds(rowbase, _CHUNK)],
                             idx_v.at[si], sem_i)

        def wait_ids():
            pltpu.make_async_copy(ids_hbm.at[:, pl.ds(0, _CHUNK)],
                                  idx_v.at[0], sem_i).wait()

        def issue_word(ck):
            so = lax.rem(ck, 5)
            si = lax.rem(ck, 4)
            pltpu.async_copy(word_hbm.at[idx_v.at[si, 0]], obuf.at[so],
                             sem_w)

        def wait_word():
            pltpu.make_async_copy(word_hbm.at[idx_v.at[0, 0]], obuf.at[0],
                                  sem_w).wait()

        def issue_spk_add(ck):
            so = lax.rem(ck, 5)
            si = lax.rem(ck, 4)
            pltpu.async_copy(spk_sp.at[idx_v.at[si, 1]], obuf.at[so],
                             sem_s, add=True)

        def wait_spk_add():
            pltpu.make_async_copy(spk_sp.at[idx_v.at[0, 1]], obuf.at[0],
                                  sem_s).wait()

        def issue_pos_add(ck):
            so = lax.rem(ck, 5)
            p = lax.rem(ck, n_pat)
            pltpu.async_copy(pos_sp.at[pidx_v.at[p]], obuf.at[so],
                             sem_p, add=True)

        def wait_pos_add():
            pltpu.make_async_copy(pos_sp.at[pidx_v.at[0]], obuf.at[0],
                                  sem_p).wait()

        def issue_out(ck):
            so = lax.rem(ck, 5)
            rowbase = wbase + ck * _CHUNK
            pltpu.async_copy(obuf.at[so],
                             out_hbm.at[pl.ds(rowbase, _CHUNK)], sem_o)

        def wait_out():
            pltpu.make_async_copy(obuf.at[0], out_hbm.at[pl.ds(0, _CHUNK)],
                                  sem_o).wait()

        fetch_ids(0)
        wait_ids()
        issue_word(0)
        fetch_ids(1)
        wait_ids()
        issue_word(1)
        fetch_ids(2)
        wait_ids()
        issue_word(2)
        fetch_ids(3)

        @pl.loop(0, n_chunks)
        def _(ck):
            @pl.when(ck >= 1)
            def _():
                wait_pos_add()
                issue_out(ck - 1)

            wait_word()
            issue_spk_add(ck)

            @pl.when(ck + 3 < n_chunks)
            def _():
                wait_ids()

                @pl.when(ck >= 2)
                def _():
                    wait_out()

                issue_word(ck + 3)

            wait_spk_add()

            @pl.when(ck + 4 < n_chunks)
            def _():
                fetch_ids(ck + 4)

            issue_pos_add(ck)

        wait_pos_add()
        issue_out(n_chunks - 1)
        for _ in range(5):
            wait_out()

    return sc_embed


def kernel(input_ids, speaker_ids, word_table, position_table,
           token_type_table, speaker_table):
    B, L = input_ids.shape
    V, H = word_table.shape
    P = speaker_table.shape[0]
    N = B * L
    import math
    n_pat = math.lcm(_CHUNK, L) // _CHUNK
    sc = _build_sc_kernel(N, L, H, P, n_pat)
    ids = jnp.stack([input_ids.reshape(N).astype(jnp.int32),
                     speaker_ids.reshape(N).astype(jnp.int32)])
    pidx = (jnp.arange(n_pat * _CHUNK, dtype=jnp.int32) % L).reshape(
        n_pat, _CHUNK)
    out = sc(ids, pidx, word_table, position_table, token_type_table,
             speaker_table)
    return out.reshape(B, L, H)

# --- scband reference (transcript-rebuilt; emitter-appended) ---
"""Pipeline reference for scband-bert-embeddings-88295937671334 (READ-ONLY COPY).

The authoritative reference and input builder live on the scoring server;
editing this copy changes nothing except your own understanding.
"""

import jax, jax.numpy as jnp
import numpy as np

B, L = 1024, 200
V, H = 100000, 128
P, T = 512, 2


def setup_inputs(seed: int = 0) -> dict:
    key = jax.random.key(seed)
    k1, k2, k3, k4, k5, k6 = jax.random.split(key, 6)
    input_ids = jax.random.randint(k1, (B, L), 0, V)
    speaker_ids = jax.random.randint(k2, (B, L), 0, P)
    word_table = jax.random.normal(k3, (V, H), dtype=jnp.float32) * 0.02
    # padding_idx=0 row initialized to zeros, matching nn.Embedding(padding_idx=0)
    word_table = word_table.at[0].set(0.0)
    position_table = jax.random.normal(k4, (P, H), dtype=jnp.float32) * 0.02
    token_type_table = jax.random.normal(k5, (T, H), dtype=jnp.float32) * 0.02
    speaker_table = jax.random.normal(k6, (P, H), dtype=jnp.float32) * 0.02
    return {
        "input_ids": input_ids,
        "speaker_ids": speaker_ids,
        "word_table": word_table,
        "position_table": position_table,
        "token_type_table": token_type_table,
        "speaker_table": speaker_table,
    }


def reference(input_ids, speaker_ids, word_table, position_table, token_type_table, speaker_table):
    b, seq_len = input_ids.shape
    # position_ids = buffered arange[:seq_len]; token_type_ids = buffered zeros expanded
    position_ids = jnp.arange(seq_len, dtype=jnp.int32)
    token_type_ids = jnp.zeros((b, seq_len), dtype=jnp.int32)
    inputs_embeds = jnp.take(word_table, input_ids, axis=0)
    token_type_embeddings = jnp.take(token_type_table, token_type_ids, axis=0)
    embeddings = inputs_embeds + token_type_embeddings
    # absolute position embeddings
    position_embeddings = jnp.take(position_table, position_ids, axis=0)
    embeddings = embeddings + position_embeddings[None, :, :]
    speaker_embeddings = jnp.take(speaker_table, speaker_ids, axis=0)
    embeddings = embeddings + speaker_embeddings
    return embeddings

if __name__ == "__main__":
    import jax
    _d = setup_inputs()
    print(jax.jit(kernel)(*tuple(_d.values())))

</pallas_src>

<mosaic_0001>
#map = affine_map<(d0, d1) -> (0, 0)>
module attributes {stable_mosaic.version = 14 : i64} {
  func.func @sc_embed(%arg0: i32, %arg1: i32, %arg2: memref<2x204800xi32, #tpu.memory_space<hbm>>, %arg3: memref<25x128xi32, #tpu.memory_space<hbm>>, %arg4: memref<100000x128xf32, #tpu.memory_space<hbm>>, %arg5: memref<512x128xf32, #tpu.memory_space<hbm>>, %arg6: memref<2x128xf32, #tpu.memory_space<hbm>>, %arg7: memref<512x128xf32, #tpu.memory_space<hbm>>, %arg8: memref<204800x128xf32, #tpu.memory_space<hbm>>, %arg9: memref<4x2x128xi32, #tpu.memory_space<vmem>>, %arg10: memref<5x128x128xf32, #tpu.memory_space<vmem>>, %arg11: memref<25x128xi32, #tpu.memory_space<vmem>>, %arg12: memref<200x128xf32, #tpu.memory_space<vmem>>, %arg13: memref<128xf32, #tpu.memory_space<vmem>>, %arg14: memref<200x128xf32, #tpu.memory_space<vmem_shared>>, %arg15: memref<512x128xf32, #tpu.memory_space<vmem_shared>>, %arg16: memref<!tpu.dma_semaphore, #tpu.memory_space<semaphore_mem>>, %arg17: memref<!tpu.dma_semaphore, #tpu.memory_space<semaphore_mem>>, %arg18: memref<!tpu.dma_semaphore, #tpu.memory_space<semaphore_mem>>, %arg19: memref<!tpu.dma_semaphore, #tpu.memory_space<semaphore_mem>>, %arg20: memref<!tpu.dma_semaphore, #tpu.memory_space<semaphore_mem>>) attributes {dimension_semantics = [#tpu.dimension_semantics<core_parallel>, #tpu.dimension_semantics<subcore_parallel>], iteration_bounds = array<i64: 2, 16>, scalar_prefetch = 0 : i64, scratch_operands = 12 : i64, tpu.core_type = #tpu.core_type<sc_vector_subcore>, window_params = [{transform_indices = #map}, {transform_indices = #map}, {transform_indices = #map}, {transform_indices = #map}, {transform_indices = #map}, {transform_indices = #map}, {transform_indices = #map}]} {
    %mul3A = arith.constant 2 : i32
    %mul3A_0 = arith.muli %arg1, %mul3A : i32
    %add3A = arith.addi %mul3A_0, %arg0 : i32
    %mul3A_1 = arith.constant 6400 : i32
    %mul3A_2 = arith.muli %add3A, %mul3A_1 : i32
    %eq3A = arith.constant 0 : i32
    %eq3A_3 = arith.cmpi eq, %arg1, %eq3A : i32
    %convert_element_type3A = arith.extui %eq3A_3 : i1 to i32
    %cond3A = arith.constant 0 : i32
    %cond3A_4 = arith.cmpi ne, %convert_element_type3A, %cond3A : i32
    scf.if %cond3A_4 {
      "tpu.region"() ({
        %run_scoped3A_276 = tpu.sem_alloc : memref<!tpu.dma_semaphore, #tpu.memory_space<semaphore_mem>>
        tpu.enqueue_dma source(%arg7 : memref<512x128xf32, #tpu.memory_space<hbm>>) target(%arg15 : memref<512x128xf32, #tpu.memory_space<vmem_shared>>) target_semaphore(%run_scoped3A_276 : memref<!tpu.dma_semaphore, #tpu.memory_space<semaphore_mem>>)
        tpu.wait_dma2 semaphore(%run_scoped3A_276 : memref<!tpu.dma_semaphore, #tpu.memory_space<semaphore_mem>>) src(%arg7 : memref<512x128xf32, #tpu.memory_space<hbm>>) dst(%arg15 : memref<512x128xf32, #tpu.memory_space<vmem_shared>>)
        tpu.yield
      }) : () -> ()
      "tpu.region"() ({
        %run_scoped3A_276 = tpu.sem_alloc : memref<!tpu.dma_semaphore, #tpu.memory_space<semaphore_mem>>
        %dma_start3A_277 = arith.constant 0 : i32
        %dma_start3A_278 = arith.constant 0 : i32
        %dma_start3A_279 = tpu.memref_slice %arg5[%dma_start3A_277, %dma_start3A_278] : memref<512x128xf32, #tpu.memory_space<hbm>> -> memref<200x128xf32, #tpu.memory_space<hbm>>
        %dma_start3A_280 = arith.constant 0 : i32
        %dma_start3A_281 = arith.constant 0 : i32
        %dma_start3A_282 = tpu.memref_slice %arg5[%dma_start3A_280, %dma_start3A_281] : memref<512x128xf32, #tpu.memory_space<hbm>> -> memref<200x128xf32, #tpu.memory_space<hbm>>
        tpu.enqueue_dma source(%dma_start3A_282 : memref<200x128xf32, #tpu.memory_space<hbm>>) target(%arg12 : memref<200x128xf32, #tpu.memory_space<vmem>>) target_semaphore(%run_scoped3A_276 : memref<!tpu.dma_semaphore, #tpu.memory_space<semaphore_mem>>)
        %dma_wait3A_283 = arith.constant 0 : i32
        %dma_wait3A_284 = arith.constant 0 : i32
        %dma_wait3A_285 = tpu.memref_slice %arg5[%dma_wait3A_283, %dma_wait3A_284] : memref<512x128xf32, #tpu.memory_space<hbm>> -> memref<200x128xf32, #tpu.memory_space<hbm>>
        %dma_wait3A_286 = arith.constant 0 : i32
        %dma_wait3A_287 = arith.constant 0 : i32
        %dma_wait3A_288 = tpu.memref_slice %arg5[%dma_wait3A_286, %dma_wait3A_287] : memref<512x128xf32, #tpu.memory_space<hbm>> -> memref<200x128xf32, #tpu.memory_space<hbm>>
        tpu.wait_dma2 semaphore(%run_scoped3A_276 : memref<!tpu.dma_semaphore, #tpu.memory_space<semaphore_mem>>) src(%dma_wait3A_288 : memref<200x128xf32, #tpu.memory_space<hbm>>) dst(%arg12 : memref<200x128xf32, #tpu.memory_space<vmem>>)
        tpu.yield
      }) : () -> ()
      %run_scoped3A = arith.constant 0 : i32
      "tpu.region"() ({
        %run_scoped3A_276 = tpu.sem_alloc : memref<!tpu.dma_semaphore, #tpu.memory_space<semaphore_mem>>
        %dma_start3A_277 = arith.constant 0 : i32
        %dma_start3A_278 = tpu.memref_slice %arg6[%run_scoped3A, %dma_start3A_277] : memref<2x128xf32, #tpu.memory_space<hbm>> -> memref<1x128xf32, #tpu.memory_space<hbm>>
        %dma_start3A_279 = tpu.memref_squeeze %dma_start3A_278 : memref<1x128xf32, #tpu.memory_space<hbm>> -> memref<128xf32, #tpu.memory_space<hbm>>
        %dma_start3A_280 = arith.constant 0 : i32
        %dma_start3A_281 = tpu.memref_slice %arg6[%run_scoped3A, %dma_start3A_280] : memref<2x128xf32, #tpu.memory_space<hbm>> -> memref<1x128xf32, #tpu.memory_space<hbm>>
        %dma_start3A_282 = tpu.memref_squeeze %dma_start3A_281 : memref<1x128xf32, #tpu.memory_space<hbm>> -> memref<128xf32, #tpu.memory_space<hbm>>
        tpu.enqueue_dma source(%dma_start3A_282 : memref<128xf32, #tpu.memory_space<hbm>>) target(%arg13 : memref<128xf32, #tpu.memory_space<vmem>>) target_semaphore(%run_scoped3A_276 : memref<!tpu.dma_semaphore, #tpu.memory_space<semaphore_mem>>)
        %dma_wait3A_283 = arith.constant 0 : i32
        %dma_wait3A_284 = tpu.memref_slice %arg6[%run_scoped3A, %dma_wait3A_283] : memref<2x128xf32, #tpu.memory_space<hbm>> -> memref<1x128xf32, #tpu.memory_space<hbm>>
        %dma_wait3A_285 = tpu.memref_squeeze %dma_wait3A_284 : memref<1x128xf32, #tpu.memory_space<hbm>> -> memref<128xf32, #tpu.memory_space<hbm>>
        %dma_wait3A_286 = arith.constant 0 : i32
        %dma_wait3A_287 = tpu.memref_slice %arg6[%run_scoped3A, %dma_wait3A_286] : memref<2x128xf32, #tpu.memory_space<hbm>> -> memref<1x128xf32, #tpu.memory_space<hbm>>
        %dma_wait3A_288 = tpu.memref_squeeze %dma_wait3A_287 : memref<1x128xf32, #tpu.memory_space<hbm>> -> memref<128xf32, #tpu.memory_space<hbm>>
        tpu.wait_dma2 semaphore(%run_scoped3A_276 : memref<!tpu.dma_semaphore, #tpu.memory_space<semaphore_mem>>) src(%dma_wait3A_288 : memref<128xf32, #tpu.memory_space<hbm>>) dst(%arg13 : memref<128xf32, #tpu.memory_space<vmem>>)
        tpu.yield
      }) : () -> ()
      %parallel_loop3A = arith.constant 0 : i32
      %parallel_loop3A_274 = arith.constant 200 : i32
      %parallel_loop3A_275 = arith.constant 1 : i32
      scf.for %parallel_loop3A_276 = %parallel_loop3A to %parallel_loop3A_274 step %parallel_loop3A_275  : i32 {
        %parallel_loop3A_277 = arith.index_cast %parallel_loop3A_276 : i32 to index
        %parallel_loop3A_278 = arith.constant 0 : index
        %parallel_loop3A_279 = tpu.vector_load %arg12[%parallel_loop3A_277, %parallel_loop3A_278] {strides = array<i32>} : memref<200x128xf32, #tpu.memory_space<vmem>>, vector<1x16xf32>,
        %parallel_loop3A_280 = vector.shape_cast %parallel_loop3A_279 : vector<1x16xf32> to vector<16xf32>
        %parallel_loop3A_281 = arith.constant 0 : index
        %parallel_loop3A_282 = tpu.vector_load %arg13[%parallel_loop3A_281] {strides = array<i32>} : memref<128xf32, #tpu.memory_space<vmem>>, vector<16xf32>,
        %parallel_loop3A_283 = vector.shape_cast %parallel_loop3A_282 : vector<16xf32> to vector<16xf32>
        %parallel_loop3A_284 = arith.addf %parallel_loop3A_280, %parallel_loop3A_283 : vector<16xf32>
        %parallel_loop3A_285 = arith.index_cast %parallel_loop3A_276 : i32 to index
        %parallel_loop3A_286 = arith.constant 0 : index
        %parallel_loop3A_287 = tpu.vector_load %arg12[%parallel_loop3A_285, %parallel_loop3A_286] {strides = array<i32>} : memref<200x128xf32, #tpu.memory_space<vmem>>, vector<1x16xf32>,
        %parallel_loop3A_288 = vector.shape_cast %parallel_loop3A_287 : vector<1x16xf32> to vector<16xf32>
        %parallel_loop3A_289 = vector.shape_cast %parallel_loop3A_284 : vector<16xf32> to vector<1x16xf32>
        tpu.vector_store %arg12[%parallel_loop3A_285, %parallel_loop3A_286], %parallel_loop3A_289 {strides = array<i32>} : memref<200x128xf32, #tpu.memory_space<vmem>>, vector<1x16xf32>,
        %parallel_loop3A_290 = arith.index_cast %parallel_loop3A_276 : i32 to index
        %parallel_loop3A_291 = arith.constant 16 : index
        %parallel_loop3A_292 = tpu.vector_load %arg12[%parallel_loop3A_290, %parallel_loop3A_291] {strides = array<i32>} : memref<200x128xf32, #tpu.memory_space<vmem>>, vector<1x16xf32>,
        %parallel_loop3A_293 = vector.shape_cast %parallel_loop3A_292 : vector<1x16xf32> to vector<16xf32>
        %parallel_loop3A_294 = arith.constant 16 : index
        %parallel_loop3A_295 = tpu.vector_load %arg13[%parallel_loop3A_294] {strides = array<i32>} : memref<128xf32, #tpu.memory_space<vmem>>, vector<16xf32>,
        %parallel_loop3A_296 = vector.shape_cast %parallel_loop3A_295 : vector<16xf32> to vector<16xf32>
        %parallel_loop3A_297 = arith.addf %parallel_loop3A_293, %parallel_loop3A_296 : vector<16xf32>
        %parallel_loop3A_298 = arith.index_cast %parallel_loop3A_276 : i32 to index
        %parallel_loop3A_299 = arith.constant 16 : index
        %parallel_loop3A_300 = tpu.vector_load %arg12[%parallel_loop3A_298, %parallel_loop3A_299] {strides = array<i32>} : memref<200x128xf32, #tpu.memory_space<vmem>>, vector<1x16xf32>,
        %parallel_loop3A_301 = vector.shape_cast %parallel_loop3A_300 : vector<1x16xf32> to vector<16xf32>
        %parallel_loop3A_302 = vector.shape_cast %parallel_loop3A_297 : vector<16xf32> to vector<1x16xf32>
        tpu.vector_store %arg12[%parallel_loop3A_298, %parallel_loop3A_299], %parallel_loop3A_302 {strides = array<i32>} : memref<200x128xf32, #tpu.memory_space<vmem>>, vector<1x16xf32>,
        %parallel_loop3A_303 = arith.index_cast %parallel_loop3A_276 : i32 to index
        %parallel_loop3A_304 = arith.constant 32 : index
        %parallel_loop3A_305 = tpu.vector_load %arg12[%parallel_loop3A_303, %parallel_loop3A_304] {strides = array<i32>} : memref<200x128xf32, #tpu.memory_space<vmem>>, vector<1x16xf32>,
        %parallel_loop3A_306 = vector.shape_cast %parallel_loop3A_305 : vector<1x16xf32> to vector<16xf32>
        %parallel_loop3A_307 = arith.constant 32 : index
        %parallel_loop3A_308 = tpu.vector_load %arg13[%parallel_loop3A_307] {strides = array<i32>} : memref<128xf32, #tpu.memory_space<vmem>>, vector<16xf32>,
        %parallel_loop3A_309 = vector.shape_cast %parallel_loop3A_308 : vector<16xf32> to vector<16xf32>
        %parallel_loop3A_310 = arith.addf %parallel_loop3A_306, %parallel_loop3A_309 : vector<16xf32>
        %parallel_loop3A_311 = arith.index_cast %parallel_loop3A_276 : i32 to index
        %parallel_loop3A_312 = arith.constant 32 : index
        %parallel_loop3A_313 = tpu.vector_load %arg12[%parallel_loop3A_311, %parallel_loop3A_312] {strides = array<i32>} : memref<200x128xf32, #tpu.memory_space<vmem>>, vector<1x16xf32>,
        %parallel_loop3A_314 = vector.shape_cast %parallel_loop3A_313 : vector<1x16xf32> to vector<16xf32>
        %parallel_loop3A_315 = vector.shape_cast %parallel_loop3A_310 : vector<16xf32> to vector<1x16xf32>
        tpu.vector_store %arg12[%parallel_loop3A_311, %parallel_loop3A_312], %parallel_loop3A_315 {strides = array<i32>} : memref<200x128xf32, #tpu.memory_space<vmem>>, vector<1x16xf32>,
        %parallel_loop3A_316 = arith.index_cast %parallel_loop3A_276 : i32 to index
        %parallel_loop3A_317 = arith.constant 48 : index
        %parallel_loop3A_318 = tpu.vector_load %arg12[%parallel_loop3A_316, %parallel_loop3A_317] {strides = array<i32>} : memref<200x128xf32, #tpu.memory_space<vmem>>, vector<1x16xf32>,
        %parallel_loop3A_319 = vector.shape_cast %parallel_loop3A_318 : vector<1x16xf32> to vector<16xf32>
        %parallel_loop3A_320 = arith.constant 48 : index
        %parallel_loop3A_321 = tpu.vector_load %arg13[%parallel_loop3A_320] {strides = array<i32>} : memref<128xf32, #tpu.memory_space<vmem>>, vector<16xf32>,
        %parallel_loop3A_322 = vector.shape_cast %parallel_loop3A_321 : vector<16xf32> to vector<16xf32>
        %parallel_loop3A_323 = arith.addf %parallel_loop3A_319, %parallel_loop3A_322 : vector<16xf32>
        %parallel_loop3A_324 = arith.index_cast %parallel_loop3A_276 : i32 to index
        %parallel_loop3A_325 = arith.constant 48 : index
        %parallel_loop3A_326 = tpu.vector_load %arg12[%parallel_loop3A_324, %parallel_loop3A_325] {strides = array<i32>} : memref<200x128xf32, #tpu.memory_space<vmem>>, vector<1x16xf32>,
        %parallel_loop3A_327 = vector.shape_cast %parallel_loop3A_326 : vector<1x16xf32> to vector<16xf32>
        %parallel_loop3A_328 = vector.shape_cast %parallel_loop3A_323 : vector<16xf32> to vector<1x16xf32>
        tpu.vector_store %arg12[%parallel_loop3A_324, %parallel_loop3A_325], %parallel_loop3A_328 {strides = array<i32>} : memref<200x128xf32, #tpu.memory_space<vmem>>, vector<1x16xf32>,
        %parallel_loop3A_329 = arith.index_cast %parallel_loop3A_276 : i32 to index
        %parallel_loop3A_330 = arith.constant 64 : index
        %parallel_loop3A_331 = tpu.vector_load %arg12[%parallel_loop3A_329, %parallel_loop3A_330] {strides = array<i32>} : memref<200x128xf32, #tpu.memory_space<vmem>>, vector<1x16xf32>,
        %parallel_loop3A_332 = vector.shape_cast %parallel_loop3A_331 : vector<1x16xf32> to vector<16xf32>
        %parallel_loop3A_333 = arith.constant 64 : index
        %parallel_loop3A_334 = tpu.vector_load %arg13[%parallel_loop3A_333] {strides = array<i32>} : memref<128xf32, #tpu.memory_space<vmem>>, vector<16xf32>,
        %parallel_loop3A_335 = vector.shape_cast %parallel_loop3A_334 : vector<16xf32> to vector<16xf32>
        %parallel_loop3A_336 = arith.addf %parallel_loop3A_332, %parallel_loop3A_335 : vector<16xf32>
        %parallel_loop3A_337 = arith.index_cast %parallel_loop3A_276 : i32 to index
        %parallel_loop3A_338 = arith.constant 64 : index
        %parallel_loop3A_339 = tpu.vector_load %arg12[%parallel_loop3A_337, %parallel_loop3A_338] {strides = array<i32>} : memref<200x128xf32, #tpu.memory_space<vmem>>, vector<1x16xf32>,
        %parallel_loop3A_340 = vector.shape_cast %parallel_loop3A_339 : vector<1x16xf32> to vector<16xf32>
        %parallel_loop3A_341 = vector.shape_cast %parallel_loop3A_336 : vector<16xf32> to vector<1x16xf32>
        tpu.vector_store %arg12[%parallel_loop3A_337, %parallel_loop3A_338], %parallel_loop3A_341 {strides = array<i32>} : memref<200x128xf32, #tpu.memory_space<vmem>>, vector<1x16xf32>,
        %parallel_loop3A_342 = arith.index_cast %parallel_loop3A_276 : i32 to index
        %parallel_loop3A_343 = arith.constant 80 : index
        %parallel_loop3A_344 = tpu.vector_load %arg12[%parallel_loop3A_342, %parallel_loop3A_343] {strides = array<i32>} : memref<200x128xf32, #tpu.memory_space<vmem>>, vector<1x16xf32>,
        %parallel_loop3A_345 = vector.shape_cast %parallel_loop3A_344 : vector<1x16xf32> to vector<16xf32>
        %parallel_loop3A_346 = arith.constant 80 : index
        %parallel_loop3A_347 = tpu.vector_load %arg13[%parallel_loop3A_346] {strides = array<i32>} : memref<128xf32, #tpu.memory_space<vmem>>, vector<16xf32>,
        %parallel_loop3A_348 = vector.shape_cast %parallel_loop3A_347 : vector<16xf32> to vector<16xf32>
        %parallel_loop3A_349 = arith.addf %parallel_loop3A_345, %parallel_loop3A_348 : vector<16xf32>
        %parallel_loop3A_350 = arith.index_cast %parallel_loop3A_276 : i32 to index
        %parallel_loop3A_351 = arith.constant 80 : index
        %parallel_loop3A_352 = tpu.vector_load %arg12[%parallel_loop3A_350, %parallel_loop3A_351] {strides = array<i32>} : memref<200x128xf32, #tpu.memory_space<vmem>>, vector<1x16xf32>,
        %parallel_loop3A_353 = vector.shape_cast %parallel_loop3A_352 : vector<1x16xf32> to vector<16xf32>
        %parallel_loop3A_354 = vector.shape_cast %parallel_loop3A_349 : vector<16xf32> to vector<1x16xf32>
        tpu.vector_store %arg12[%parallel_loop3A_350, %parallel_loop3A_351], %parallel_loop3A_354 {strides = array<i32>} : memref<200x128xf32, #tpu.memory_space<vmem>>, vector<1x16xf32>,
        %parallel_loop3A_355 = arith.index_cast %parallel_loop3A_276 : i32 to index
        %parallel_loop3A_356 = arith.constant 96 : index
        %parallel_loop3A_357 = tpu.vector_load %arg12[%parallel_loop3A_355, %parallel_loop3A_356] {strides = array<i32>} : memref<200x128xf32, #tpu.memory_space<vmem>>, vector<1x16xf32>,
        %parallel_loop3A_358 = vector.shape_cast %parallel_loop3A_357 : vector<1x16xf32> to vector<16xf32>
        %parallel_loop3A_359 = arith.constant 96 : index
        %parallel_loop3A_360 = tpu.vector_load %arg13[%parallel_loop3A_359] {strides = array<i32>} : memref<128xf32, #tpu.memory_space<vmem>>, vector<16xf32>,
        %parallel_loop3A_361 = vector.shape_cast %parallel_loop3A_360 : vector<16xf32> to vector<16xf32>
        %parallel_loop3A_362 = arith.addf %parallel_loop3A_358, %parallel_loop3A_361 : vector<16xf32>
        %parallel_loop3A_363 = arith.index_cast %parallel_loop3A_276 : i32 to index
        %parallel_loop3A_364 = arith.constant 96 : index
        %parallel_loop3A_365 = tpu.vector_load %arg12[%parallel_loop3A_363, %parallel_loop3A_364] {strides = array<i32>} : memref<200x128xf32, #tpu.memory_space<vmem>>, vector<1x16xf32>,
        %parallel_loop3A_366 = vector.shape_cast %parallel_loop3A_365 : vector<1x16xf32> to vector<16xf32>
        %parallel_loop3A_367 = vector.shape_cast %parallel_loop3A_362 : vector<16xf32> to vector<1x16xf32>
        tpu.vector_store %arg12[%parallel_loop3A_363, %parallel_loop3A_364], %parallel_loop3A_367 {strides = array<i32>} : memref<200x128xf32, #tpu.memory_space<vmem>>, vector<1x16xf32>,
        %parallel_loop3A_368 = arith.index_cast %parallel_loop3A_276 : i32 to index
        %parallel_loop3A_369 = arith.constant 112 : index
        %parallel_loop3A_370 = tpu.vector_load %arg12[%parallel_loop3A_368, %parallel_loop3A_369] {strides = array<i32>} : memref<200x128xf32, #tpu.memory_space<vmem>>, vector<1x16xf32>,
        %parallel_loop3A_371 = vector.shape_cast %parallel_loop3A_370 : vector<1x16xf32> to vector<16xf32>
        %parallel_loop3A_372 = arith.constant 112 : index
        %parallel_loop3A_373 = tpu.vector_load %arg13[%parallel_loop3A_372] {strides = array<i32>} : memref<128xf32, #tpu.memory_space<vmem>>, vector<16xf32>,
        %parallel_loop3A_374 = vector.shape_cast %parallel_loop3A_373 : vector<16xf32> to vector<16xf32>
        %parallel_loop3A_375 = arith.addf %parallel_loop3A_371, %parallel_loop3A_374 : vector<16xf32>
        %parallel_loop3A_376 = arith.index_cast %parallel_loop3A_276 : i32 to index
        %parallel_loop3A_377 = arith.constant 112 : index
        %parallel_loop3A_378 = tpu.vector_load %arg12[%parallel_loop3A_376, %parallel_loop3A_377] {strides = array<i32>} : memref<200x128xf32, #tpu.memory_space<vmem>>, vector<1x16xf32>,
        %parallel_loop3A_379 = vector.shape_cast %parallel_loop3A_378 : vector<1x16xf32> to vector<16xf32>
        %parallel_loop3A_380 = vector.shape_cast %parallel_loop3A_375 : vector<16xf32> to vector<1x16xf32>
        tpu.vector_store %arg12[%parallel_loop3A_376, %parallel_loop3A_377], %parallel_loop3A_380 {strides = array<i32>} : memref<200x128xf32, #tpu.memory_space<vmem>>, vector<1x16xf32>,
      } {sc.loop_unroll_factor = 2 : i64, sc.parallel_access}
      "tpu.region"() ({
        %run_scoped3A_276 = tpu.sem_alloc : memref<!tpu.dma_semaphore, #tpu.memory_space<semaphore_mem>>
        tpu.enqueue_dma source(%arg12 : memref<200x128xf32, #tpu.memory_space<vmem>>) target(%arg14 : memref<200x128xf32, #tpu.memory_space<vmem_shared>>) target_semaphore(%run_scoped3A_276 : memref<!tpu.dma_semaphore, #tpu.memory_space<semaphore_mem>>)
        tpu.wait_dma2 semaphore(%run_scoped3A_276 : memref<!tpu.dma_semaphore, #tpu.memory_space<semaphore_mem>>) src(%arg12 : memref<200x128xf32, #tpu.memory_space<vmem>>) dst(%arg14 : memref<200x128xf32, #tpu.memory_space<vmem_shared>>)
        tpu.yield
      }) : () -> ()
    } else {
    }
    "tpu.region"() ({
      %run_scoped3A = tpu.sem_alloc : memref<!tpu.dma_semaphore, #tpu.memory_space<semaphore_mem>>
      tpu.enqueue_dma source(%arg3 : memref<25x128xi32, #tpu.memory_space<hbm>>) target(%arg11 : memref<25x128xi32, #tpu.memory_space<vmem>>) target_semaphore(%run_scoped3A : memref<!tpu.dma_semaphore, #tpu.memory_space<semaphore_mem>>)
      tpu.wait_dma2 semaphore(%run_scoped3A : memref<!tpu.dma_semaphore, #tpu.memory_space<semaphore_mem>>) src(%arg3 : memref<25x128xi32, #tpu.memory_space<hbm>>) dst(%arg11 : memref<25x128xi32, #tpu.memory_space<vmem>>)
      tpu.yield
    }) : () -> ()
    %barrier3A = arith.constant 0 : index
    tpu.barrier barrier_id(%barrier3A)
    %rem3A = arith.constant 0 : i32
    %rem3A_5 = arith.constant 4 : i32
    %rem3A_6 = arith.remsi %rem3A, %rem3A_5 : i32
    %add3A_7 = arith.constant 0 : i32
    %add3A_8 = arith.addi %mul3A_2, %add3A_7 : i32
    %dma_start3A = arith.constant 0 : i32
    %dma_start3A_9 = arith.constant 0 : i32
    %dma_start3A_10 = tpu.memref_slice %arg9[%rem3A_6, %dma_start3A, %dma_start3A_9] : memref<4x2x128xi32, #tpu.memory_space<vmem>> -> memref<1x2x128xi32, #tpu.memory_space<vmem>>
    %dma_start3A_11 = tpu.memref_squeeze %dma_start3A_10 : memref<1x2x128xi32, #tpu.memory_space<vmem>> -> memref<2x128xi32, #tpu.memory_space<vmem>>
    %dma_start3A_12 = arith.constant 0 : i32
    %dma_start3A_13 = tpu.memref_slice %arg2[%dma_start3A_12, %add3A_8] : memref<2x204800xi32, #tpu.memory_space<hbm>> -> memref<2x128xi32, #tpu.memory_space<hbm>>
    %dma_start3A_14 = arith.constant 0 : i32
    %dma_start3A_15 = arith.constant 0 : i32
    %dma_start3A_16 = tpu.memref_slice %arg9[%rem3A_6, %dma_start3A_14, %dma_start3A_15] : memref<4x2x128xi32, #tpu.memory_space<vmem>> -> memref<1x2x128xi32, #tpu.memory_space<vmem>>
    %dma_start3A_17 = tpu.memref_squeeze %dma_start3A_16 : memref<1x2x128xi32, #tpu.memory_space<vmem>> -> memref<2x128xi32, #tpu.memory_space<vmem>>
    %dma_start3A_18 = arith.constant 0 : i32
    %dma_start3A_19 = tpu.memref_slice %arg2[%dma_start3A_18, %add3A_8] : memref<2x204800xi32, #tpu.memory_space<hbm>> -> memref<2x128xi32, #tpu.memory_space<hbm>>
    tpu.enqueue_dma source(%dma_start3A_19 : memref<2x128xi32, #tpu.memory_space<hbm>>) target(%dma_start3A_17 : memref<2x128xi32, #tpu.memory_space<vmem>>) target_semaphore(%arg16 : memref<!tpu.dma_semaphore, #tpu.memory_space<semaphore_mem>>)
    %dma_wait3A = arith.constant 0 : i32
    %dma_wait3A_20 = arith.constant 0 : i32
    %dma_wait3A_21 = arith.constant 0 : i32
    %dma_wait3A_22 = tpu.memref_slice %arg9[%dma_wait3A, %dma_wait3A_20, %dma_wait3A_21] : memref<4x2x128xi32, #tpu.memory_space<vmem>> -> memref<1x2x128xi32, #tpu.memory_space<vmem>>
    %dma_wait3A_23 = tpu.memref_squeeze %dma_wait3A_22 : memref<1x2x128xi32, #tpu.memory_space<vmem>> -> memref<2x128xi32, #tpu.memory_space<vmem>>
    %dma_wait3A_24 = arith.constant 0 : i32
    %dma_wait3A_25 = arith.constant 0 : i32
    %dma_wait3A_26 = tpu.memref_slice %arg2[%dma_wait3A_24, %dma_wait3A_25] : memref<2x204800xi32, #tpu.memory_space<hbm>> -> memref<2x128xi32, #tpu.memory_space<hbm>>
    %dma_wait3A_27 = arith.constant 0 : i32
    %dma_wait3A_28 = arith.constant 0 : i32
    %dma_wait3A_29 = tpu.memref_slice %arg9[%dma_wait3A, %dma_wait3A_27, %dma_wait3A_28] : memref<4x2x128xi32, #tpu.memory_space<vmem>> -> memref<1x2x128xi32, #tpu.memory_space<vmem>>
    %dma_wait3A_30 = tpu.memref_squeeze %dma_wait3A_29 : memref<1x2x128xi32, #tpu.memory_space<vmem>> -> memref<2x128xi32, #tpu.memory_space<vmem>>
    %dma_wait3A_31 = arith.constant 0 : i32
    %dma_wait3A_32 = arith.constant 0 : i32
    %dma_wait3A_33 = tpu.memref_slice %arg2[%dma_wait3A_31, %dma_wait3A_32] : memref<2x204800xi32, #tpu.memory_space<hbm>> -> memref<2x128xi32, #tpu.memory_space<hbm>>
    tpu.wait_dma2 semaphore(%arg16 : memref<!tpu.dma_semaphore, #tpu.memory_space<semaphore_mem>>) src(%dma_wait3A_33 : memref<2x128xi32, #tpu.memory_space<hbm>>) dst(%dma_wait3A_30 : memref<2x128xi32, #tpu.memory_space<vmem>>)
    %rem3A_34 = arith.constant 0 : i32
    %rem3A_35 = arith.constant 5 : i32
    %rem3A_36 = arith.remsi %rem3A_34, %rem3A_35 : i32
    %rem3A_37 = arith.constant 0 : i32
    %rem3A_38 = arith.constant 4 : i32
    %rem3A_39 = arith.remsi %rem3A_37, %rem3A_38 : i32
    %dma_start3A_40 = arith.constant 0 : i32
    %dma_start3A_41 = arith.constant 0 : i32
    %dma_start3A_42 = arith.constant 0 : i32
    %dma_start3A_43 = tpu.memref_slice %arg10[%rem3A_36, %dma_start3A_41, %dma_start3A_42] : memref<5x128x128xf32, #tpu.memory_space<vmem>> -> memref<1x128x128xf32, #tpu.memory_space<vmem>>
    %dma_start3A_44 = tpu.memref_squeeze %dma_start3A_43 : memref<1x128x128xf32, #tpu.memory_space<vmem>> -> memref<128x128xf32, #tpu.memory_space<vmem>>
    %dma_start3A_45 = arith.constant 0 : i32
    %dma_start3A_46 = tpu.memref_slice %arg9[%rem3A_39, %dma_start3A_40, %dma_start3A_45] : memref<4x2x128xi32, #tpu.memory_space<vmem>> -> memref<1x1x128xi32, #tpu.memory_space<vmem>>
    %dma_start3A_47 = tpu.memref_squeeze %dma_start3A_46 : memref<1x1x128xi32, #tpu.memory_space<vmem>> -> memref<128xi32, #tpu.memory_space<vmem>>
    %dma_start3A_48 = arith.constant 0 : i32
    %dma_start3A_49 = arith.constant 0 : i32
    %dma_start3A_50 = tpu.memref_slice %arg4[%dma_start3A_48, %dma_start3A_49] : memref<100000x128xf32, #tpu.memory_space<hbm>> -> memref<100000x128xf32, #tpu.memory_space<hbm>>
    tpu.enqueue_indirect_dma source(%dma_start3A_50 : memref<100000x128xf32, #tpu.memory_space<hbm>>) target(%dma_start3A_44 : memref<128x128xf32, #tpu.memory_space<vmem>>) offsets(%dma_start3A_47 : memref<128xi32, #tpu.memory_space<vmem>>) semaphore(%arg17 : memref<!tpu.dma_semaphore, #tpu.memory_space<semaphore_mem>>)
    %rem3A_51 = arith.constant 1 : i32
    %rem3A_52 = arith.constant 4 : i32
    %rem3A_53 = arith.remsi %rem3A_51, %rem3A_52 : i32
    %add3A_54 = arith.constant 128 : i32
    %add3A_55 = arith.addi %mul3A_2, %add3A_54 : i32
    %dma_start3A_56 = arith.constant 0 : i32
    %dma_start3A_57 = arith.constant 0 : i32
    %dma_start3A_58 = tpu.memref_slice %arg9[%rem3A_53, %dma_start3A_56, %dma_start3A_57] : memref<4x2x128xi32, #tpu.memory_space<vmem>> -> memref<1x2x128xi32, #tpu.memory_space<vmem>>
    %dma_start3A_59 = tpu.memref_squeeze %dma_start3A_58 : memref<1x2x128xi32, #tpu.memory_space<vmem>> -> memref<2x128xi32, #tpu.memory_space<vmem>>
    %dma_start3A_60 = arith.constant 0 : i32
    %dma_start3A_61 = tpu.memref_slice %arg2[%dma_start3A_60, %add3A_55] : memref<2x204800xi32, #tpu.memory_space<hbm>> -> memref<2x128xi32, #tpu.memory_space<hbm>>
    %dma_start3A_62 = arith.constant 0 : i32
    %dma_start3A_63 = arith.constant 0 : i32
    %dma_start3A_64 = tpu.memref_slice %arg9[%rem3A_53, %dma_start3A_62, %dma_start3A_63] : memref<4x2x128xi32, #tpu.memory_space<vmem>> -> memref<1x2x128xi32, #tpu.memory_space<vmem>>
    %dma_start3A_65 = tpu.memref_squeeze %dma_start3A_64 : memref<1x2x128xi32, #tpu.memory_space<vmem>> -> memref<2x128xi32, #tpu.memory_space<vmem>>
    %dma_start3A_66 = arith.constant 0 : i32
    %dma_start3A_67 = tpu.memref_slice %arg2[%dma_start3A_66, %add3A_55] : memref<2x204800xi32, #tpu.memory_space<hbm>> -> memref<2x128xi32, #tpu.memory_space<hbm>>
    tpu.enqueue_dma source(%dma_start3A_67 : memref<2x128xi32, #tpu.memory_space<hbm>>) target(%dma_start3A_65 : memref<2x128xi32, #tpu.memory_space<vmem>>) target_semaphore(%arg16 : memref<!tpu.dma_semaphore, #tpu.memory_space<semaphore_mem>>)
    %dma_wait3A_68 = arith.constant 0 : i32
    %dma_wait3A_69 = arith.constant 0 : i32
    %dma_wait3A_70 = arith.constant 0 : i32
    %dma_wait3A_71 = tpu.memref_slice %arg9[%dma_wait3A_68, %dma_wait3A_69, %dma_wait3A_70] : memref<4x2x128xi32, #tpu.memory_space<vmem>> -> memref<1x2x128xi32, #tpu.memory_space<vmem>>
    %dma_wait3A_72 = tpu.memref_squeeze %dma_wait3A_71 : memref<1x2x128xi32, #tpu.memory_space<vmem>> -> memref<2x128xi32, #tpu.memory_space<vmem>>
    %dma_wait3A_73 = arith.constant 0 : i32
    %dma_wait3A_74 = arith.constant 0 : i32
    %dma_wait3A_75 = tpu.memref_slice %arg2[%dma_wait3A_73, %dma_wait3A_74] : memref<2x204800xi32, #tpu.memory_space<hbm>> -> memref<2x128xi32, #tpu.memory_space<hbm>>
    %dma_wait3A_76 = arith.constant 0 : i32
    %dma_wait3A_77 = arith.constant 0 : i32
    %dma_wait3A_78 = tpu.memref_slice %arg9[%dma_wait3A_68, %dma_wait3A_76, %dma_wait3A_77] : memref<4x2x128xi32, #tpu.memory_space<vmem>> -> memref<1x2x128xi32, #tpu.memory_space<vmem>>
    %dma_wait3A_79 = tpu.memref_squeeze %dma_wait3A_78 : memref<1x2x128xi32, #tpu.memory_space<vmem>> -> memref<2x128xi32, #tpu.memory_space<vmem>>
    %dma_wait3A_80 = arith.constant 0 : i32
    %dma_wait3A_81 = arith.constant 0 : i32
    %dma_wait3A_82 = tpu.memref_slice %arg2[%dma_wait3A_80, %dma_wait3A_81] : memref<2x204800xi32, #tpu.memory_space<hbm>> -> memref<2x128xi32, #tpu.memory_space<hbm>>
    tpu.wait_dma2 semaphore(%arg16 : memref<!tpu.dma_semaphore, #tpu.memory_space<semaphore_mem>>) src(%dma_wait3A_82 : memref<2x128xi32, #tpu.memory_space<hbm>>) dst(%dma_wait3A_79 : memref<2x128xi32, #tpu.memory_space<vmem>>)
    %rem3A_83 = arith.constant 1 : i32
    %rem3A_84 = arith.constant 5 : i32
    %rem3A_85 = arith.remsi %rem3A_83, %rem3A_84 : i32
    %rem3A_86 = arith.constant 1 : i32
    %rem3A_87 = arith.constant 4 : i32
    %rem3A_88 = arith.remsi %rem3A_86, %rem3A_87 : i32
    %dma_start3A_89 = arith.constant 0 : i32
    %dma_start3A_90 = arith.constant 0 : i32
    %dma_start3A_91 = arith.constant 0 : i32
    %dma_start3A_92 = tpu.memref_slice %arg10[%rem3A_85, %dma_start3A_90, %dma_start3A_91] : memref<5x128x128xf32, #tpu.memory_space<vmem>> -> memref<1x128x128xf32, #tpu.memory_space<vmem>>
    %dma_start3A_93 = tpu.memref_squeeze %dma_start3A_92 : memref<1x128x128xf32, #tpu.memory_space<vmem>> -> memref<128x128xf32, #tpu.memory_space<vmem>>
    %dma_start3A_94 = arith.constant 0 : i32
    %dma_start3A_95 = tpu.memref_slice %arg9[%rem3A_88, %dma_start3A_89, %dma_start3A_94] : memref<4x2x128xi32, #tpu.memory_space<vmem>> -> memref<1x1x128xi32, #tpu.memory_space<vmem>>
    %dma_start3A_96 = tpu.memref_squeeze %dma_start3A_95 : memref<1x1x128xi32, #tpu.memory_space<vmem>> -> memref<128xi32, #tpu.memory_space<vmem>>
    %dma_start3A_97 = arith.constant 0 : i32
    %dma_start3A_98 = arith.constant 0 : i32
    %dma_start3A_99 = tpu.memref_slice %arg4[%dma_start3A_97, %dma_start3A_98] : memref<100000x128xf32, #tpu.memory_space<hbm>> -> memref<100000x128xf32, #tpu.memory_space<hbm>>
    tpu.enqueue_indirect_dma source(%dma_start3A_99 : memref<100000x128xf32, #tpu.memory_space<hbm>>) target(%dma_start3A_93 : memref<128x128xf32, #tpu.memory_space<vmem>>) offsets(%dma_start3A_96 : memref<128xi32, #tpu.memory_space<vmem>>) semaphore(%arg17 : memref<!tpu.dma_semaphore, #tpu.memory_space<semaphore_mem>>)
    %rem3A_100 = arith.constant 2 : i32
    %rem3A_101 = arith.constant 4 : i32
    %rem3A_102 = arith.remsi %rem3A_100, %rem3A_101 : i32
    %add3A_103 = arith.constant 256 : i32
    %add3A_104 = arith.addi %mul3A_2, %add3A_103 : i32
    %dma_start3A_105 = arith.constant 0 : i32
    %dma_start3A_106 = arith.constant 0 : i32
    %dma_start3A_107 = tpu.memref_slice %arg9[%rem3A_102, %dma_start3A_105, %dma_start3A_106] : memref<4x2x128xi32, #tpu.memory_space<vmem>> -> memref<1x2x128xi32, #tpu.memory_space<vmem>>
    %dma_start3A_108 = tpu.memref_squeeze %dma_start3A_107 : memref<1x2x128xi32, #tpu.memory_space<vmem>> -> memref<2x128xi32, #tpu.memory_space<vmem>>
    %dma_start3A_109 = arith.constant 0 : i32
    %dma_start3A_110 = tpu.memref_slice %arg2[%dma_start3A_109, %add3A_104] : memref<2x204800xi32, #tpu.memory_space<hbm>> -> memref<2x128xi32, #tpu.memory_space<hbm>>
    %dma_start3A_111 = arith.constant 0 : i32
    %dma_start3A_112 = arith.constant 0 : i32
    %dma_start3A_113 = tpu.memref_slice %arg9[%rem3A_102, %dma_start3A_111, %dma_start3A_112] : memref<4x2x128xi32, #tpu.memory_space<vmem>> -> memref<1x2x128xi32, #tpu.memory_space<vmem>>
    %dma_start3A_114 = tpu.memref_squeeze %dma_start3A_113 : memref<1x2x128xi32, #tpu.memory_space<vmem>> -> memref<2x128xi32, #tpu.memory_space<vmem>>
    %dma_start3A_115 = arith.constant 0 : i32
    %dma_start3A_116 = tpu.memref_slice %arg2[%dma_start3A_115, %add3A_104] : memref<2x204800xi32, #tpu.memory_space<hbm>> -> memref<2x128xi32, #tpu.memory_space<hbm>>
    tpu.enqueue_dma source(%dma_start3A_116 : memref<2x128xi32, #tpu.memory_space<hbm>>) target(%dma_start3A_114 : memref<2x128xi32, #tpu.memory_space<vmem>>) target_semaphore(%arg16 : memref<!tpu.dma_semaphore, #tpu.memory_space<semaphore_mem>>)
    %dma_wait3A_117 = arith.constant 0 : i32
    %dma_wait3A_118 = arith.constant 0 : i32
    %dma_wait3A_119 = arith.constant 0 : i32
    %dma_wait3A_120 = tpu.memref_slice %arg9[%dma_wait3A_117, %dma_wait3A_118, %dma_wait3A_119] : memref<4x2x128xi32, #tpu.memory_space<vmem>> -> memref<1x2x128xi32, #tpu.memory_space<vmem>>
    %dma_wait3A_121 = tpu.memref_squeeze %dma_wait3A_120 : memref<1x2x128xi32, #tpu.memory_space<vmem>> -> memref<2x128xi32, #tpu.memory_space<vmem>>
    %dma_wait3A_122 = arith.constant 0 : i32
    %dma_wait3A_123 = arith.constant 0 : i32
    %dma_wait3A_124 = tpu.memref_slice %arg2[%dma_wait3A_122, %dma_wait3A_123] : memref<2x204800xi32, #tpu.memory_space<hbm>> -> memref<2x128xi32, #tpu.memory_space<hbm>>
    %dma_wait3A_125 = arith.constant 0 : i32
    %dma_wait3A_126 = arith.constant 0 : i32
    %dma_wait3A_127 = tpu.memref_slice %arg9[%dma_wait3A_117, %dma_wait3A_125, %dma_wait3A_126] : memref<4x2x128xi32, #tpu.memory_space<vmem>> -> memref<1x2x128xi32, #tpu.memory_space<vmem>>
    %dma_wait3A_128 = tpu.memref_squeeze %dma_wait3A_127 : memref<1x2x128xi32, #tpu.memory_space<vmem>> -> memref<2x128xi32, #tpu.memory_space<vmem>>
    %dma_wait3A_129 = arith.constant 0 : i32
    %dma_wait3A_130 = arith.constant 0 : i32
    %dma_wait3A_131 = tpu.memref_slice %arg2[%dma_wait3A_129, %dma_wait3A_130] : memref<2x204800xi32, #tpu.memory_space<hbm>> -> memref<2x128xi32, #tpu.memory_space<hbm>>
    tpu.wait_dma2 semaphore(%arg16 : memref<!tpu.dma_semaphore, #tpu.memory_space<semaphore_mem>>) src(%dma_wait3A_131 : memref<2x128xi32, #tpu.memory_space<hbm>>) dst(%dma_wait3A_128 : memref<2x128xi32, #tpu.memory_space<vmem>>)
    %rem3A_132 = arith.constant 2 : i32
    %rem3A_133 = arith.constant 5 : i32
    %rem3A_134 = arith.remsi %rem3A_132, %rem3A_133 : i32
    %rem3A_135 = arith.constant 2 : i32
    %rem3A_136 = arith.constant 4 : i32
    %rem3A_137 = arith.remsi %rem3A_135, %rem3A_136 : i32
    %dma_start3A_138 = arith.constant 0 : i32
    %dma_start3A_139 = arith.constant 0 : i32
    %dma_start3A_140 = arith.constant 0 : i32
    %dma_start3A_141 = tpu.memref_slice %arg10[%rem3A_134, %dma_start3A_139, %dma_start3A_140] : memref<5x128x128xf32, #tpu.memory_space<vmem>> -> memref<1x128x128xf32, #tpu.memory_space<vmem>>
    %dma_start3A_142 = tpu.memref_squeeze %dma_start3A_141 : memref<1x128x128xf32, #tpu.memory_space<vmem>> -> memref<128x128xf32, #tpu.memory_space<vmem>>
    %dma_start3A_143 = arith.constant 0 : i32
    %dma_start3A_144 = tpu.memref_slice %arg9[%rem3A_137, %dma_start3A_138, %dma_start3A_143] : memref<4x2x128xi32, #tpu.memory_space<vmem>> -> memref<1x1x128xi32, #tpu.memory_space<vmem>>
    %dma_start3A_145 = tpu.memref_squeeze %dma_start3A_144 : memref<1x1x128xi32, #tpu.memory_space<vmem>> -> memref<128xi32, #tpu.memory_space<vmem>>
    %dma_start3A_146 = arith.constant 0 : i32
    %dma_start3A_147 = arith.constant 0 : i32
    %dma_start3A_148 = tpu.memref_slice %arg4[%dma_start3A_146, %dma_start3A_147] : memref<100000x128xf32, #tpu.memory_space<hbm>> -> memref<100000x128xf32, #tpu.memory_space<hbm>>
    tpu.enqueue_indirect_dma source(%dma_start3A_148 : memref<100000x128xf32, #tpu.memory_space<hbm>>) target(%dma_start3A_142 : memref<128x128xf32, #tpu.memory_space<vmem>>) offsets(%dma_start3A_145 : memref<128xi32, #tpu.memory_space<vmem>>) semaphore(%arg17 : memref<!tpu.dma_semaphore, #tpu.memory_space<semaphore_mem>>)
    %rem3A_149 = arith.constant 3 : i32
    %rem3A_150 = arith.constant 4 : i32
    %rem3A_151 = arith.remsi %rem3A_149, %rem3A_150 : i32
    %add3A_152 = arith.constant 384 : i32
    %add3A_153 = arith.addi %mul3A_2, %add3A_152 : i32
    %dma_start3A_154 = arith.constant 0 : i32
    %dma_start3A_155 = arith.constant 0 : i32
    %dma_start3A_156 = tpu.memref_slice %arg9[%rem3A_151, %dma_start3A_154, %dma_start3A_155] : memref<4x2x128xi32, #tpu.memory_space<vmem>> -> memref<1x2x128xi32, #tpu.memory_space<vmem>>
    %dma_start3A_157 = tpu.memref_squeeze %dma_start3A_156 : memref<1x2x128xi32, #tpu.memory_space<vmem>> -> memref<2x128xi32, #tpu.memory_space<vmem>>
    %dma_start3A_158 = arith.constant 0 : i32
    %dma_start3A_159 = tpu.memref_slice %arg2[%dma_start3A_158, %add3A_153] : memref<2x204800xi32, #tpu.memory_space<hbm>> -> memref<2x128xi32, #tpu.memory_space<hbm>>
    %dma_start3A_160 = arith.constant 0 : i32
    %dma_start3A_161 = arith.constant 0 : i32
    %dma_start3A_162 = tpu.memref_slice %arg9[%rem3A_151, %dma_start3A_160, %dma_start3A_161] : memref<4x2x128xi32, #tpu.memory_space<vmem>> -> memref<1x2x128xi32, #tpu.memory_space<vmem>>
    %dma_start3A_163 = tpu.memref_squeeze %dma_start3A_162 : memref<1x2x128xi32, #tpu.memory_space<vmem>> -> memref<2x128xi32, #tpu.memory_space<vmem>>
    %dma_start3A_164 = arith.constant 0 : i32
    %dma_start3A_165 = tpu.memref_slice %arg2[%dma_start3A_164, %add3A_153] : memref<2x204800xi32, #tpu.memory_space<hbm>> -> memref<2x128xi32, #tpu.memory_space<hbm>>
    tpu.enqueue_dma source(%dma_start3A_165 : memref<2x128xi32, #tpu.memory_space<hbm>>) target(%dma_start3A_163 : memref<2x128xi32, #tpu.memory_space<vmem>>) target_semaphore(%arg16 : memref<!tpu.dma_semaphore, #tpu.memory_space<semaphore_mem>>)
    %scan3A = arith.constant 0 : i32
    %scan3A_166 = arith.constant 50 : i32
    %scan3A_167 = arith.addi %scan3A, %scan3A_166 : i32
    %scan3A_168 = arith.constant 1 : i32
    scf.for %scan3A_274 = %scan3A to %scan3A_167 step %scan3A_168  : i32 {
      %mul3A_275 = arith.constant 1 : i32
      %mul3A_276 = arith.muli %scan3A_274, %mul3A_275 : i32
      %add3A_277 = arith.constant 0 : i32
      %add3A_278 = arith.addi %add3A_277, %mul3A_276 : i32
      %ge3A = arith.constant 1 : i32
      %ge3A_279 = arith.cmpi sge, %add3A_278, %ge3A : i32
      %convert_element_type3A_280 = arith.extui %ge3A_279 : i1 to i32
      %cond3A_281 = arith.constant 0 : i32
      %cond3A_282 = arith.cmpi ne, %convert_element_type3A_280, %cond3A_281 : i32
      scf.if %cond3A_282 {
        %dma_wait3A_351 = arith.constant 0 : i32
        %dma_wait3A_352 = arith.constant 0 : i32
        %dma_wait3A_353 = arith.constant 0 : i32
        %dma_wait3A_354 = arith.constant 0 : i32
        %dma_wait3A_355 = tpu.memref_slice %arg10[%dma_wait3A_352, %dma_wait3A_353, %dma_wait3A_354] : memref<5x128x128xf32, #tpu.memory_space<vmem>> -> memref<1x128x128xf32, #tpu.memory_space<vmem>>
        %dma_wait3A_356 = tpu.memref_squeeze %dma_wait3A_355 : memref<1x128x128xf32, #tpu.memory_space<vmem>> -> memref<128x128xf32, #tpu.memory_space<vmem>>
        %dma_wait3A_357 = arith.constant 0 : i32
        %dma_wait3A_358 = tpu.memref_slice %arg11[%dma_wait3A_351, %dma_wait3A_357] : memref<25x128xi32, #tpu.memory_space<vmem>> -> memref<1x128xi32, #tpu.memory_space<vmem>>
        %dma_wait3A_359 = tpu.memref_squeeze %dma_wait3A_358 : memref<1x128xi32, #tpu.memory_space<vmem>> -> memref<128xi32, #tpu.memory_space<vmem>>
        %dma_wait3A_360 = arith.constant 0 : i32
        %dma_wait3A_361 = arith.constant 0 : i32
        %dma_wait3A_362 = tpu.memref_slice %arg14[%dma_wait3A_360, %dma_wait3A_361] : memref<200x128xf32, #tpu.memory_space<vmem_shared>> -> memref<200x128xf32, #tpu.memory_space<vmem_shared>>
        tpu.wait_indirect_dma semaphore(%arg19 : memref<!tpu.dma_semaphore, #tpu.memory_space<semaphore_mem>>) src(%dma_wait3A_362 : memref<200x128xf32, #tpu.memory_space<vmem_shared>>) dst(%dma_wait3A_356 : memref<128x128xf32, #tpu.memory_space<vmem>>)
        %sub3A = arith.constant 1 : i32
        %sub3A_363 = arith.subi %add3A_278, %sub3A : i32
        %rem3A_364 = arith.constant 5 : i32
        %rem3A_365 = arith.remsi %sub3A_363, %rem3A_364 : i32
        %mul3A_366 = arith.constant 128 : i32
        %mul3A_367 = arith.muli %sub3A_363, %mul3A_366 : i32
        %add3A_368 = arith.addi %mul3A_2, %mul3A_367 : i32
        %dma_start3A_369 = arith.constant 0 : i32
        %dma_start3A_370 = arith.constant 0 : i32
        %dma_start3A_371 = tpu.memref_slice %arg10[%rem3A_365, %dma_start3A_369, %dma_start3A_370] : memref<5x128x128xf32, #tpu.memory_space<vmem>> -> memref<1x128x128xf32, #tpu.memory_space<vmem>>
        %dma_start3A_372 = tpu.memref_squeeze %dma_start3A_371 : memref<1x128x128xf32, #tpu.memory_space<vmem>> -> memref<128x128xf32, #tpu.memory_space<vmem>>
        %dma_start3A_373 = arith.constant 0 : i32
        %dma_start3A_374 = tpu.memref_slice %arg8[%add3A_368, %dma_start3A_373] : memref<204800x128xf32, #tpu.memory_space<hbm>> -> memref<128x128xf32, #tpu.memory_space<hbm>>
        %dma_start3A_375 = arith.constant 0 : i32
        %dma_start3A_376 = tpu.memref_slice %arg8[%add3A_368, %dma_start3A_375] : memref<204800x128xf32, #tpu.memory_space<hbm>> -> memref<128x128xf32, #tpu.memory_space<hbm>>
        %dma_start3A_377 = arith.constant 0 : i32
        %dma_start3A_378 = arith.constant 0 : i32
        %dma_start3A_379 = tpu.memref_slice %arg10[%rem3A_365, %dma_start3A_377, %dma_start3A_378] : memref<5x128x128xf32, #tpu.memory_space<vmem>> -> memref<1x128x128xf32, #tpu.memory_space<vmem>>
        %dma_start3A_380 = tpu.memref_squeeze %dma_start3A_379 : memref<1x128x128xf32, #tpu.memory_space<vmem>> -> memref<128x128xf32, #tpu.memory_space<vmem>>
        tpu.enqueue_dma source(%dma_start3A_380 : memref<128x128xf32, #tpu.memory_space<vmem>>) target(%dma_start3A_376 : memref<128x128xf32, #tpu.memory_space<hbm>>) target_semaphore(%arg20 : memref<!tpu.dma_semaphore, #tpu.memory_space<semaphore_mem>>)
      } else {
      }
      %dma_wait3A_283 = arith.constant 0 : i32
      %dma_wait3A_284 = arith.constant 0 : i32
      %dma_wait3A_285 = arith.constant 0 : i32
      %dma_wait3A_286 = arith.constant 0 : i32
      %dma_wait3A_287 = arith.constant 0 : i32
      %dma_wait3A_288 = tpu.memref_slice %arg10[%dma_wait3A_285, %dma_wait3A_286, %dma_wait3A_287] : memref<5x128x128xf32, #tpu.memory_space<vmem>> -> memref<1x128x128xf32, #tpu.memory_space<vmem>>
      %dma_wait3A_289 = tpu.memref_squeeze %dma_wait3A_288 : memref<1x128x128xf32, #tpu.memory_space<vmem>> -> memref<128x128xf32, #tpu.memory_space<vmem>>
      %dma_wait3A_290 = arith.constant 0 : i32
      %dma_wait3A_291 = tpu.memref_slice %arg9[%dma_wait3A_283, %dma_wait3A_284, %dma_wait3A_290] : memref<4x2x128xi32, #tpu.memory_space<vmem>> -> memref<1x1x128xi32, #tpu.memory_space<vmem>>
      %dma_wait3A_292 = tpu.memref_squeeze %dma_wait3A_291 : memref<1x1x128xi32, #tpu.memory_space<vmem>> -> memref<128xi32, #tpu.memory_space<vmem>>
      %dma_wait3A_293 = arith.constant 0 : i32
      %dma_wait3A_294 = arith.constant 0 : i32
      %dma_wait3A_295 = tpu.memref_slice %arg4[%dma_wait3A_293, %dma_wait3A_294] : memref<100000x128xf32, #tpu.memory_space<hbm>> -> memref<100000x128xf32, #tpu.memory_space<hbm>>
      tpu.wait_indirect_dma semaphore(%arg17 : memref<!tpu.dma_semaphore, #tpu.memory_space<semaphore_mem>>) src(%dma_wait3A_295 : memref<100000x128xf32, #tpu.memory_space<hbm>>) dst(%dma_wait3A_289 : memref<128x128xf32, #tpu.memory_space<vmem>>)
      %rem3A_296 = arith.constant 5 : i32
      %rem3A_297 = arith.remsi %add3A_278, %rem3A_296 : i32
      %rem3A_298 = arith.constant 4 : i32
      %rem3A_299 = arith.remsi %add3A_278, %rem3A_298 : i32
      %dma_start3A_300 = arith.constant 1 : i32
      %dma_start3A_301 = arith.constant 0 : i32
      %dma_start3A_302 = arith.constant 0 : i32
      %dma_start3A_303 = tpu.memref_slice %arg10[%rem3A_297, %dma_start3A_301, %dma_start3A_302] : memref<5x128x128xf32, #tpu.memory_space<vmem>> -> memref<1x128x128xf32, #tpu.memory_space<vmem>>
      %dma_start3A_304 = tpu.memref_squeeze %dma_start3A_303 : memref<1x128x128xf32, #tpu.memory_space<vmem>> -> memref<128x128xf32, #tpu.memory_space<vmem>>
      %dma_start3A_305 = arith.constant 0 : i32
      %dma_start3A_306 = tpu.memref_slice %arg9[%rem3A_299, %dma_start3A_300, %dma_start3A_305] : memref<4x2x128xi32, #tpu.memory_space<vmem>> -> memref<1x1x128xi32, #tpu.memory_space<vmem>>
      %dma_start3A_307 = tpu.memref_squeeze %dma_start3A_306 : memref<1x1x128xi32, #tpu.memory_space<vmem>> -> memref<128xi32, #tpu.memory_space<vmem>>
      %dma_start3A_308 = arith.constant 0 : i32
      %dma_start3A_309 = arith.constant 0 : i32
      %dma_start3A_310 = tpu.memref_slice %arg15[%dma_start3A_308, %dma_start3A_309] : memref<512x128xf32, #tpu.memory_space<vmem_shared>> -> memref<512x128xf32, #tpu.memory_space<vmem_shared>>
      tpu.enqueue_indirect_dma source(%dma_start3A_310 : memref<512x128xf32, #tpu.memory_space<vmem_shared>>) target(%dma_start3A_304 : memref<128x128xf32, #tpu.memory_space<vmem>>) offsets(%dma_start3A_307 : memref<128xi32, #tpu.memory_space<vmem>>) semaphore(%arg18 : memref<!tpu.dma_semaphore, #tpu.memory_space<semaphore_mem>>) {add = true}
      %add3A_311 = arith.constant 3 : i32
      %add3A_312 = arith.addi %add3A_278, %add3A_311 : i32
      %lt3A = arith.constant 50 : i32
      %lt3A_313 = arith.cmpi slt, %add3A_312, %lt3A : i32
      %convert_element_type3A_314 = arith.extui %lt3A_313 : i1 to i32
      %cond3A_315 = arith.constant 0 : i32
      %cond3A_316 = arith.cmpi ne, %convert_element_type3A_314, %cond3A_315 : i32
      scf.if %cond3A_316 {
        %dma_wait3A_351 = arith.constant 0 : i32
        %dma_wait3A_352 = arith.constant 0 : i32
        %dma_wait3A_353 = arith.constant 0 : i32
        %dma_wait3A_354 = tpu.memref_slice %arg9[%dma_wait3A_351, %dma_wait3A_352, %dma_wait3A_353] : memref<4x2x128xi32, #tpu.memory_space<vmem>> -> memref<1x2x128xi32, #tpu.memory_space<vmem>>
        %dma_wait3A_355 = tpu.memref_squeeze %dma_wait3A_354 : memref<1x2x128xi32, #tpu.memory_space<vmem>> -> memref<2x128xi32, #tpu.memory_space<vmem>>
        %dma_wait3A_356 = arith.constant 0 : i32
        %dma_wait3A_357 = arith.constant 0 : i32
        %dma_wait3A_358 = tpu.memref_slice %arg2[%dma_wait3A_356, %dma_wait3A_357] : memref<2x204800xi32, #tpu.memory_space<hbm>> -> memref<2x128xi32, #tpu.memory_space<hbm>>
        %dma_wait3A_359 = arith.constant 0 : i32
        %dma_wait3A_360 = arith.constant 0 : i32
        %dma_wait3A_361 = tpu.memref_slice %arg9[%dma_wait3A_351, %dma_wait3A_359, %dma_wait3A_360] : memref<4x2x128xi32, #tpu.memory_space<vmem>> -> memref<1x2x128xi32, #tpu.memory_space<vmem>>
        %dma_wait3A_362 = tpu.memref_squeeze %dma_wait3A_361 : memref<1x2x128xi32, #tpu.memory_space<vmem>> -> memref<2x128xi32, #tpu.memory_space<vmem>>
        %dma_wait3A_363 = arith.constant 0 : i32
        %dma_wait3A_364 = arith.constant 0 : i32
        %dma_wait3A_365 = tpu.memref_slice %arg2[%dma_wait3A_363, %dma_wait3A_364] : memref<2x204800xi32, #tpu.memory_space<hbm>> -> memref<2x128xi32, #tpu.memory_space<hbm>>
        tpu.wait_dma2 semaphore(%arg16 : memref<!tpu.dma_semaphore, #tpu.memory_space<semaphore_mem>>) src(%dma_wait3A_365 : memref<2x128xi32, #tpu.memory_space<hbm>>) dst(%dma_wait3A_362 : memref<2x128xi32, #tpu.memory_space<vmem>>)
        %ge3A_366 = arith.constant 2 : i32
        %ge3A_367 = arith.cmpi sge, %add3A_278, %ge3A_366 : i32
        %convert_element_type3A_368 = arith.extui %ge3A_367 : i1 to i32
        %cond3A_369 = arith.constant 0 : i32
        %cond3A_370 = arith.cmpi ne, %convert_element_type3A_368, %cond3A_369 : i32
        scf.if %cond3A_370 {
          %dma_wait3A_388 = arith.constant 0 : i32
          %dma_wait3A_389 = arith.constant 0 : i32
          %dma_wait3A_390 = arith.constant 0 : i32
          %dma_wait3A_391 = tpu.memref_slice %arg10[%dma_wait3A_388, %dma_wait3A_389, %dma_wait3A_390] : memref<5x128x128xf32, #tpu.memory_space<vmem>> -> memref<1x128x128xf32, #tpu.memory_space<vmem>>
          %dma_wait3A_392 = tpu.memref_squeeze %dma_wait3A_391 : memref<1x128x128xf32, #tpu.memory_space<vmem>> -> memref<128x128xf32, #tpu.memory_space<vmem>>
          %dma_wait3A_393 = arith.constant 0 : i32
          %dma_wait3A_394 = arith.constant 0 : i32
          %dma_wait3A_395 = tpu.memref_slice %arg8[%dma_wait3A_393, %dma_wait3A_394] : memref<204800x128xf32, #tpu.memory_space<hbm>> -> memref<128x128xf32, #tpu.memory_space<hbm>>
          %dma_wait3A_396 = arith.constant 0 : i32
          %dma_wait3A_397 = arith.constant 0 : i32
          %dma_wait3A_398 = tpu.memref_slice %arg8[%dma_wait3A_396, %dma_wait3A_397] : memref<204800x128xf32, #tpu.memory_space<hbm>> -> memref<128x128xf32, #tpu.memory_space<hbm>>
          %dma_wait3A_399 = arith.constant 0 : i32
          %dma_wait3A_400 = arith.constant 0 : i32
          %dma_wait3A_401 = tpu.memref_slice %arg10[%dma_wait3A_388, %dma_wait3A_399, %dma_wait3A_400] : memref<5x128x128xf32, #tpu.memory_space<vmem>> -> memref<1x128x128xf32, #tpu.memory_space<vmem>>
          %dma_wait3A_402 = tpu.memref_squeeze %dma_wait3A_401 : memref<1x128x128xf32, #tpu.memory_space<vmem>> -> memref<128x128xf32, #tpu.memory_space<vmem>>
          tpu.wait_dma2 semaphore(%arg20 : memref<!tpu.dma_semaphore, #tpu.memory_space<semaphore_mem>>) src(%dma_wait3A_402 : memref<128x128xf32, #tpu.memory_space<vmem>>) dst(%dma_wait3A_398 : memref<128x128xf32, #tpu.memory_space<hbm>>)
        } else {
        }
        %add3A_371 = arith.constant 3 : i32
        %add3A_372 = arith.addi %add3A_278, %add3A_371 : i32
        %rem3A_373 = arith.constant 5 : i32
        %rem3A_374 = arith.remsi %add3A_372, %rem3A_373 : i32
        %rem3A_375 = arith.constant 4 : i32
        %rem3A_376 = arith.remsi %add3A_372, %rem3A_375 : i32
        %dma_start3A_377 = arith.constant 0 : i32
        %dma_start3A_378 = arith.constant 0 : i32
        %dma_start3A_379 = arith.constant 0 : i32
        %dma_start3A_380 = tpu.memref_slice %arg10[%rem3A_374, %dma_start3A_378, %dma_start3A_379] : memref<5x128x128xf32, #tpu.memory_space<vmem>> -> memref<1x128x128xf32, #tpu.memory_space<vmem>>
        %dma_start3A_381 = tpu.memref_squeeze %dma_start3A_380 : memref<1x128x128xf32, #tpu.memory_space<vmem>> -> memref<128x128xf32, #tpu.memory_space<vmem>>
        %dma_start3A_382 = arith.constant 0 : i32
        %dma_start3A_383 = tpu.memref_slice %arg9[%rem3A_376, %dma_start3A_377, %dma_start3A_382] : memref<4x2x128xi32, #tpu.memory_space<vmem>> -> memref<1x1x128xi32, #tpu.memory_space<vmem>>
        %dma_start3A_384 = tpu.memref_squeeze %dma_start3A_383 : memref<1x1x128xi32, #tpu.memory_space<vmem>> -> memref<128xi32, #tpu.memory_space<vmem>>
        %dma_start3A_385 = arith.constant 0 : i32
        %dma_start3A_386 = arith.constant 0 : i32
        %dma_start3A_387 = tpu.memref_slice %arg4[%dma_start3A_385, %dma_start3A_386] : memref<100000x128xf32, #tpu.memory_space<hbm>> -> memref<100000x128xf32, #tpu.memory_space<hbm>>
        tpu.enqueue_indirect_dma source(%dma_start3A_387 : memref<100000x128xf32, #tpu.memory_space<hbm>>) target(%dma_start3A_381 : memref<128x128xf32, #tpu.memory_space<vmem>>) offsets(%dma_start3A_384 : memref<128xi32, #tpu.memory_space<vmem>>) semaphore(%arg17 : memref<!tpu.dma_semaphore, #tpu.memory_space<semaphore_mem>>)
      } else {
      }
      %dma_wait3A_317 = arith.constant 0 : i32
      %dma_wait3A_318 = arith.constant 1 : i32
      %dma_wait3A_319 = arith.constant 0 : i32
      %dma_wait3A_320 = arith.constant 0 : i32
      %dma_wait3A_321 = arith.constant 0 : i32
      %dma_wait3A_322 = tpu.memref_slice %arg10[%dma_wait3A_319, %dma_wait3A_320, %dma_wait3A_321] : memref<5x128x128xf32, #tpu.memory_space<vmem>> -> memref<1x128x128xf32, #tpu.memory_space<vmem>>
      %dma_wait3A_323 = tpu.memref_squeeze %dma_wait3A_322 : memref<1x128x128xf32, #tpu.memory_space<vmem>> -> memref<128x128xf32, #tpu.memory_space<vmem>>
      %dma_wait3A_324 = arith.constant 0 : i32
      %dma_wait3A_325 = tpu.memref_slice %arg9[%dma_wait3A_317, %dma_wait3A_318, %dma_wait3A_324] : memref<4x2x128xi32, #tpu.memory_space<vmem>> -> memref<1x1x128xi32, #tpu.memory_space<vmem>>
      %dma_wait3A_326 = tpu.memref_squeeze %dma_wait3A_325 : memref<1x1x128xi32, #tpu.memory_space<vmem>> -> memref<128xi32, #tpu.memory_space<vmem>>
      %dma_wait3A_327 = arith.constant 0 : i32
      %dma_wait3A_328 = arith.constant 0 : i32
      %dma_wait3A_329 = tpu.memref_slice %arg15[%dma_wait3A_327, %dma_wait3A_328] : memref<512x128xf32, #tpu.memory_space<vmem_shared>> -> memref<512x128xf32, #tpu.memory_space<vmem_shared>>
      tpu.wait_indirect_dma semaphore(%arg18 : memref<!tpu.dma_semaphore, #tpu.memory_space<semaphore_mem>>) src(%dma_wait3A_329 : memref<512x128xf32, #tpu.memory_space<vmem_shared>>) dst(%dma_wait3A_323 : memref<128x128xf32, #tpu.memory_space<vmem>>)
      %add3A_330 = arith.constant 4 : i32
      %add3A_331 = arith.addi %add3A_278, %add3A_330 : i32
      %lt3A_332 = arith.constant 50 : i32
      %lt3A_333 = arith.cmpi slt, %add3A_331, %lt3A_332 : i32
      %convert_element_type3A_334 = arith.extui %lt3A_333 : i1 to i32
      %cond3A_335 = arith.constant 0 : i32
      %cond3A_336 = arith.cmpi ne, %convert_element_type3A_334, %cond3A_335 : i32
      scf.if %cond3A_336 {
        %add3A_351 = arith.constant 4 : i32
        %add3A_352 = arith.addi %add3A_278, %add3A_351 : i32
        %rem3A_353 = arith.constant 4 : i32
        %rem3A_354 = arith.remsi %add3A_352, %rem3A_353 : i32
        %mul3A_355 = arith.constant 128 : i32
        %mul3A_356 = arith.muli %add3A_352, %mul3A_355 : i32
        %add3A_357 = arith.addi %mul3A_2, %mul3A_356 : i32
        %dma_start3A_358 = arith.constant 0 : i32
        %dma_start3A_359 = arith.constant 0 : i32
        %dma_start3A_360 = tpu.memref_slice %arg9[%rem3A_354, %dma_start3A_358, %dma_start3A_359] : memref<4x2x128xi32, #tpu.memory_space<vmem>> -> memref<1x2x128xi32, #tpu.memory_space<vmem>>
        %dma_start3A_361 = tpu.memref_squeeze %dma_start3A_360 : memref<1x2x128xi32, #tpu.memory_space<vmem>> -> memref<2x128xi32, #tpu.memory_space<vmem>>
        %dma_start3A_362 = arith.constant 0 : i32
        %dma_start3A_363 = tpu.memref_slice %arg2[%dma_start3A_362, %add3A_357] : memref<2x204800xi32, #tpu.memory_space<hbm>> -> memref<2x128xi32, #tpu.memory_space<hbm>>
        %dma_start3A_364 = arith.constant 0 : i32
        %dma_start3A_365 = arith.constant 0 : i32
        %dma_start3A_366 = tpu.memref_slice %arg9[%rem3A_354, %dma_start3A_364, %dma_start3A_365] : memref<4x2x128xi32, #tpu.memory_space<vmem>> -> memref<1x2x128xi32, #tpu.memory_space<vmem>>
        %dma_start3A_367 = tpu.memref_squeeze %dma_start3A_366 : memref<1x2x128xi32, #tpu.memory_space<vmem>> -> memref<2x128xi32, #tpu.memory_space<vmem>>
        %dma_start3A_368 = arith.constant 0 : i32
        %dma_start3A_369 = tpu.memref_slice %arg2[%dma_start3A_368, %add3A_357] : memref<2x204800xi32, #tpu.memory_space<hbm>> -> memref<2x128xi32, #tpu.memory_space<hbm>>
        tpu.enqueue_dma source(%dma_start3A_369 : memref<2x128xi32, #tpu.memory_space<hbm>>) target(%dma_start3A_367 : memref<2x128xi32, #tpu.memory_space<vmem>>) target_semaphore(%arg16 : memref<!tpu.dma_semaphore, #tpu.memory_space<semaphore_mem>>)
      } else {
      }
      %rem3A_337 = arith.constant 5 : i32
      %rem3A_338 = arith.remsi %add3A_278, %rem3A_337 : i32
      %rem3A_339 = arith.constant 25 : i32
      %rem3A_340 = arith.remsi %add3A_278, %rem3A_339 : i32
      %dma_start3A_341 = arith.constant 0 : i32
      %dma_start3A_342 = arith.constant 0 : i32
      %dma_start3A_343 = tpu.memref_slice %arg10[%rem3A_338, %dma_start3A_341, %dma_start3A_342] : memref<5x128x128xf32, #tpu.memory_space<vmem>> -> memref<1x128x128xf32, #tpu.memory_space<vmem>>
      %dma_start3A_344 = tpu.memref_squeeze %dma_start3A_343 : memref<1x128x128xf32, #tpu.memory_space<vmem>> -> memref<128x128xf32, #tpu.memory_space<vmem>>
      %dma_start3A_345 = arith.constant 0 : i32
      %dma_start3A_346 = tpu.memref_slice %arg11[%rem3A_340, %dma_start3A_345] : memref<25x128xi32, #tpu.memory_space<vmem>> -> memref<1x128xi32, #tpu.memory_space<vmem>>
      %dma_start3A_347 = tpu.memref_squeeze %dma_start3A_346 : memref<1x128xi32, #tpu.memory_space<vmem>> -> memref<128xi32, #tpu.memory_space<vmem>>
      %dma_start3A_348 = arith.constant 0 : i32
      %dma_start3A_349 = arith.constant 0 : i32
      %dma_start3A_350 = tpu.memref_slice %arg14[%dma_start3A_348, %dma_start3A_349] : memref<200x128xf32, #tpu.memory_space<vmem_shared>> -> memref<200x128xf32, #tpu.memory_space<vmem_shared>>
      tpu.enqueue_indirect_dma source(%dma_start3A_350 : memref<200x128xf32, #tpu.memory_space<vmem_shared>>) target(%dma_start3A_344 : memref<128x128xf32, #tpu.memory_space<vmem>>) offsets(%dma_start3A_347 : memref<128xi32, #tpu.memory_space<vmem>>) semaphore(%arg19 : memref<!tpu.dma_semaphore, #tpu.memory_space<semaphore_mem>>) {add = true}
    }
    %scan3A_169 = arith.constant 50 : i32
    %dma_wait3A_170 = arith.constant 0 : i32
    %dma_wait3A_171 = arith.constant 0 : i32
    %dma_wait3A_172 = arith.constant 0 : i32
    %dma_wait3A_173 = arith.constant 0 : i32
    %dma_wait3A_174 = tpu.memref_slice %arg10[%dma_wait3A_171, %dma_wait3A_172, %dma_wait3A_173] : memref<5x128x128xf32, #tpu.memory_space<vmem>> -> memref<1x128x128xf32, #tpu.memory_space<vmem>>
    %dma_wait3A_175 = tpu.memref_squeeze %dma_wait3A_174 : memref<1x128x128xf32, #tpu.memory_space<vmem>> -> memref<128x128xf32, #tpu.memory_space<vmem>>
    %dma_wait3A_176 = arith.constant 0 : i32
    %dma_wait3A_177 = tpu.memref_slice %arg11[%dma_wait3A_170, %dma_wait3A_176] : memref<25x128xi32, #tpu.memory_space<vmem>> -> memref<1x128xi32, #tpu.memory_space<vmem>>
    %dma_wait3A_178 = tpu.memref_squeeze %dma_wait3A_177 : memref<1x128xi32, #tpu.memory_space<vmem>> -> memref<128xi32, #tpu.memory_space<vmem>>
    %dma_wait3A_179 = arith.constant 0 : i32
    %dma_wait3A_180 = arith.constant 0 : i32
    %dma_wait3A_181 = tpu.memref_slice %arg14[%dma_wait3A_179, %dma_wait3A_180] : memref<200x128xf32, #tpu.memory_space<vmem_shared>> -> memref<200x128xf32, #tpu.memory_space<vmem_shared>>
    tpu.wait_indirect_dma semaphore(%arg19 : memref<!tpu.dma_semaphore, #tpu.memory_space<semaphore_mem>>) src(%dma_wait3A_181 : memref<200x128xf32, #tpu.memory_space<vmem_shared>>) dst(%dma_wait3A_175 : memref<128x128xf32, #tpu.memory_space<vmem>>)
    %rem3A_182 = arith.constant 49 : i32
    %rem3A_183 = arith.constant 5 : i32
    %rem3A_184 = arith.remsi %rem3A_182, %rem3A_183 : i32
    %add3A_185 = arith.constant 6272 : i32
    %add3A_186 = arith.addi %mul3A_2, %add3A_185 : i32
    %dma_start3A_187 = arith.constant 0 : i32
    %dma_start3A_188 = arith.constant 0 : i32
    %dma_start3A_189 = tpu.memref_slice %arg10[%rem3A_184, %dma_start3A_187, %dma_start3A_188] : memref<5x128x128xf32, #tpu.memory_space<vmem>> -> memref<1x128x128xf32, #tpu.memory_space<vmem>>
    %dma_start3A_190 = tpu.memref_squeeze %dma_start3A_189 : memref<1x128x128xf32, #tpu.memory_space<vmem>> -> memref<128x128xf32, #tpu.memory_space<vmem>>
    %dma_start3A_191 = arith.constant 0 : i32
    %dma_start3A_192 = tpu.memref_slice %arg8[%add3A_186, %dma_start3A_191] : memref<204800x128xf32, #tpu.memory_space<hbm>> -> memref<128x128xf32, #tpu.memory_space<hbm>>
    %dma_start3A_193 = arith.constant 0 : i32
    %dma_start3A_194 = tpu.memref_slice %arg8[%add3A_186, %dma_start3A_193] : memref<204800x128xf32, #tpu.memory_space<hbm>> -> memref<128x128xf32, #tpu.memory_space<hbm>>
    %dma_start3A_195 = arith.constant 0 : i32
    %dma_start3A_196 = arith.constant 0 : i32
    %dma_start3A_197 = tpu.memref_slice %arg10[%rem3A_184, %dma_start3A_195, %dma_start3A_196] : memref<5x128x128xf32, #tpu.memory_space<vmem>> -> memref<1x128x128xf32, #tpu.memory_space<vmem>>
    %dma_start3A_198 = tpu.memref_squeeze %dma_start3A_197 : memref<1x128x128xf32, #tpu.memory_space<vmem>> -> memref<128x128xf32, #tpu.memory_space<vmem>>
    tpu.enqueue_dma source(%dma_start3A_198 : memref<128x128xf32, #tpu.memory_space<vmem>>) target(%dma_start3A_194 : memref<128x128xf32, #tpu.memory_space<hbm>>) target_semaphore(%arg20 : memref<!tpu.dma_semaphore, #tpu.memory_space<semaphore_mem>>)
    %dma_wait3A_199 = arith.constant 0 : i32
    %dma_wait3A_200 = arith.constant 0 : i32
    %dma_wait3A_201 = arith.constant 0 : i32
    %dma_wait3A_202 = tpu.memref_slice %arg10[%dma_wait3A_199, %dma_wait3A_200, %dma_wait3A_201] : memref<5x128x128xf32, #tpu.memory_space<vmem>> -> memref<1x128x128xf32, #tpu.memory_space<vmem>>
    %dma_wait3A_203 = tpu.memref_squeeze %dma_wait3A_202 : memref<1x128x128xf32, #tpu.memory_space<vmem>> -> memref<128x128xf32, #tpu.memory_space<vmem>>
    %dma_wait3A_204 = arith.constant 0 : i32
    %dma_wait3A_205 = arith.constant 0 : i32
    %dma_wait3A_206 = tpu.memref_slice %arg8[%dma_wait3A_204, %dma_wait3A_205] : memref<204800x128xf32, #tpu.memory_space<hbm>> -> memref<128x128xf32, #tpu.memory_space<hbm>>
    %dma_wait3A_207 = arith.constant 0 : i32
    %dma_wait3A_208 = arith.constant 0 : i32
    %dma_wait3A_209 = tpu.memref_slice %arg8[%dma_wait3A_207, %dma_wait3A_208] : memref<204800x128xf32, #tpu.memory_space<hbm>> -> memref<128x128xf32, #tpu.memory_space<hbm>>
    %dma_wait3A_210 = arith.constant 0 : i32
    %dma_wait3A_211 = arith.constant 0 : i32
    %dma_wait3A_212 = tpu.memref_slice %arg10[%dma_wait3A_199, %dma_wait3A_210, %dma_wait3A_211] : memref<5x128x128xf32, #tpu.memory_space<vmem>> -> memref<1x128x128xf32, #tpu.memory_space<vmem>>
    %dma_wait3A_213 = tpu.memref_squeeze %dma_wait3A_212 : memref<1x128x128xf32, #tpu.memory_space<vmem>> -> memref<128x128xf32, #tpu.memory_space<vmem>>
    tpu.wait_dma2 semaphore(%arg20 : memref<!tpu.dma_semaphore, #tpu.memory_space<semaphore_mem>>) src(%dma_wait3A_213 : memref<128x128xf32, #tpu.memory_space<vmem>>) dst(%dma_wait3A_209 : memref<128x128xf32, #tpu.memory_space<hbm>>)
    %dma_wait3A_214 = arith.constant 0 : i32
    %dma_wait3A_215 = arith.constant 0 : i32
    %dma_wait3A_216 = arith.constant 0 : i32
    %dma_wait3A_217 = tpu.memref_slice %arg10[%dma_wait3A_214, %dma_wait3A_215, %dma_wait3A_216] : memref<5x128x128xf32, #tpu.memory_space<vmem>> -> memref<1x128x128xf32, #tpu.memory_space<vmem>>
    %dma_wait3A_218 = tpu.memref_squeeze %dma_wait3A_217 : memref<1x128x128xf32, #tpu.memory_space<vmem>> -> memref<128x128xf32, #tpu.memory_space<vmem>>
    %dma_wait3A_219 = arith.constant 0 : i32
    %dma_wait3A_220 = arith.constant 0 : i32
    %dma_wait3A_221 = tpu.memref_slice %arg8[%dma_wait3A_219, %dma_wait3A_220] : memref<204800x128xf32, #tpu.memory_space<hbm>> -> memref<128x128xf32, #tpu.memory_space<hbm>>
    %dma_wait3A_222 = arith.constant 0 : i32
    %dma_wait3A_223 = arith.constant 0 : i32
    %dma_wait3A_224 = tpu.memref_slice %arg8[%dma_wait3A_222, %dma_wait3A_223] : memref<204800x128xf32, #tpu.memory_space<hbm>> -> memref<128x128xf32, #tpu.memory_space<hbm>>
    %dma_wait3A_225 = arith.constant 0 : i32
    %dma_wait3A_226 = arith.constant 0 : i32
    %dma_wait3A_227 = tpu.memref_slice %arg10[%dma_wait3A_214, %dma_wait3A_225, %dma_wait3A_226] : memref<5x128x128xf32, #tpu.memory_space<vmem>> -> memref<1x128x128xf32, #tpu.memory_space<vmem>>
    %dma_wait3A_228 = tpu.memref_squeeze %dma_wait3A_227 : memref<1x128x128xf32, #tpu.memory_space<vmem>> -> memref<128x128xf32, #tpu.memory_space<vmem>>
    tpu.wait_dma2 semaphore(%arg20 : memref<!tpu.dma_semaphore, #tpu.memory_space<semaphore_mem>>) src(%dma_wait3A_228 : memref<128x128xf32, #tpu.memory_space<vmem>>) dst(%dma_wait3A_224 : memref<128x128xf32, #tpu.memory_space<hbm>>)
    %dma_wait3A_229 = arith.constant 0 : i32
    %dma_wait3A_230 = arith.constant 0 : i32
    %dma_wait3A_231 = arith.constant 0 : i32
    %dma_wait3A_232 = tpu.memref_slice %arg10[%dma_wait3A_229, %dma_wait3A_230, %dma_wait3A_231] : memref<5x128x128xf32, #tpu.memory_space<vmem>> -> memref<1x128x128xf32, #tpu.memory_space<vmem>>
    %dma_wait3A_233 = tpu.memref_squeeze %dma_wait3A_232 : memref<1x128x128xf32, #tpu.memory_space<vmem>> -> memref<128x128xf32, #tpu.memory_space<vmem>>
    %dma_wait3A_234 = arith.constant 0 : i32
    %dma_wait3A_235 = arith.constant 0 : i32
    %dma_wait3A_236 = tpu.memref_slice %arg8[%dma_wait3A_234, %dma_wait3A_235] : memref<204800x128xf32, #tpu.memory_space<hbm>> -> memref<128x128xf32, #tpu.memory_space<hbm>>
    %dma_wait3A_237 = arith.constant 0 : i32
    %dma_wait3A_238 = arith.constant 0 : i32
    %dma_wait3A_239 = tpu.memref_slice %arg8[%dma_wait3A_237, %dma_wait3A_238] : memref<204800x128xf32, #tpu.memory_space<hbm>> -> memref<128x128xf32, #tpu.memory_space<hbm>>
    %dma_wait3A_240 = arith.constant 0 : i32
    %dma_wait3A_241 = arith.constant 0 : i32
    %dma_wait3A_242 = tpu.memref_slice %arg10[%dma_wait3A_229, %dma_wait3A_240, %dma_wait3A_241] : memref<5x128x128xf32, #tpu.memory_space<vmem>> -> memref<1x128x128xf32, #tpu.memory_space<vmem>>
    %dma_wait3A_243 = tpu.memref_squeeze %dma_wait3A_242 : memref<1x128x128xf32, #tpu.memory_space<vmem>> -> memref<128x128xf32, #tpu.memory_space<vmem>>
    tpu.wait_dma2 semaphore(%arg20 : memref<!tpu.dma_semaphore, #tpu.memory_space<semaphore_mem>>) src(%dma_wait3A_243 : memref<128x128xf32, #tpu.memory_space<vmem>>) dst(%dma_wait3A_239 : memref<128x128xf32, #tpu.memory_space<hbm>>)
    %dma_wait3A_244 = arith.constant 0 : i32
    %dma_wait3A_245 = arith.constant 0 : i32
    %dma_wait3A_246 = arith.constant 0 : i32
    %dma_wait3A_247 = tpu.memref_slice %arg10[%dma_wait3A_244, %dma_wait3A_245, %dma_wait3A_246] : memref<5x128x128xf32, #tpu.memory_space<vmem>> -> memref<1x128x128xf32, #tpu.memory_space<vmem>>
    %dma_wait3A_248 = tpu.memref_squeeze %dma_wait3A_247 : memref<1x128x128xf32, #tpu.memory_space<vmem>> -> memref<128x128xf32, #tpu.memory_space<vmem>>
    %dma_wait3A_249 = arith.constant 0 : i32
    %dma_wait3A_250 = arith.constant 0 : i32
    %dma_wait3A_251 = tpu.memref_slice %arg8[%dma_wait3A_249, %dma_wait3A_250] : memref<204800x128xf32, #tpu.memory_space<hbm>> -> memref<128x128xf32, #tpu.memory_space<hbm>>
    %dma_wait3A_252 = arith.constant 0 : i32
    %dma_wait3A_253 = arith.constant 0 : i32
    %dma_wait3A_254 = tpu.memref_slice %arg8[%dma_wait3A_252, %dma_wait3A_253] : memref<204800x128xf32, #tpu.memory_space<hbm>> -> memref<128x128xf32, #tpu.memory_space<hbm>>
    %dma_wait3A_255 = arith.constant 0 : i32
    %dma_wait3A_256 = arith.constant 0 : i32
    %dma_wait3A_257 = tpu.memref_slice %arg10[%dma_wait3A_244, %dma_wait3A_255, %dma_wait3A_256] : memref<5x128x128xf32, #tpu.memory_space<vmem>> -> memref<1x128x128xf32, #tpu.memory_space<vmem>>
    %dma_wait3A_258 = tpu.memref_squeeze %dma_wait3A_257 : memref<1x128x128xf32, #tpu.memory_space<vmem>> -> memref<128x128xf32, #tpu.memory_space<vmem>>
    tpu.wait_dma2 semaphore(%arg20 : memref<!tpu.dma_semaphore, #tpu.memory_space<semaphore_mem>>) src(%dma_wait3A_258 : memref<128x128xf32, #tpu.memory_space<vmem>>) dst(%dma_wait3A_254 : memref<128x128xf32, #tpu.memory_space<hbm>>)
    %dma_wait3A_259 = arith.constant 0 : i32
    %dma_wait3A_260 = arith.constant 0 : i32
    %dma_wait3A_261 = arith.constant 0 : i32
    %dma_wait3A_262 = tpu.memref_slice %arg10[%dma_wait3A_259, %dma_wait3A_260, %dma_wait3A_261] : memref<5x128x128xf32, #tpu.memory_space<vmem>> -> memref<1x128x128xf32, #tpu.memory_space<vmem>>
    %dma_wait3A_263 = tpu.memref_squeeze %dma_wait3A_262 : memref<1x128x128xf32, #tpu.memory_space<vmem>> -> memref<128x128xf32, #tpu.memory_space<vmem>>
    %dma_wait3A_264 = arith.constant 0 : i32
    %dma_wait3A_265 = arith.constant 0 : i32
    %dma_wait3A_266 = tpu.memref_slice %arg8[%dma_wait3A_264, %dma_wait3A_265] : memref<204800x128xf32, #tpu.memory_space<hbm>> -> memref<128x128xf32, #tpu.memory_space<hbm>>
    %dma_wait3A_267 = arith.constant 0 : i32
    %dma_wait3A_268 = arith.constant 0 : i32
    %dma_wait3A_269 = tpu.memref_slice %arg8[%dma_wait3A_267, %dma_wait3A_268] : memref<204800x128xf32, #tpu.memory_space<hbm>> -> memref<128x128xf32, #tpu.memory_space<hbm>>
    %dma_wait3A_270 = arith.constant 0 : i32
    %dma_wait3A_271 = arith.constant 0 : i32
    %dma_wait3A_272 = tpu.memref_slice %arg10[%dma_wait3A_259, %dma_wait3A_270, %dma_wait3A_271] : memref<5x128x128xf32, #tpu.memory_space<vmem>> -> memref<1x128x128xf32, #tpu.memory_space<vmem>>
    %dma_wait3A_273 = tpu.memref_squeeze %dma_wait3A_272 : memref<1x128x128xf32, #tpu.memory_space<vmem>> -> memref<128x128xf32, #tpu.memory_space<vmem>>
    tpu.wait_dma2 semaphore(%arg20 : memref<!tpu.dma_semaphore, #tpu.memory_space<semaphore_mem>>) src(%dma_wait3A_273 : memref<128x128xf32, #tpu.memory_space<vmem>>) dst(%dma_wait3A_269 : memref<128x128xf32, #tpu.memory_space<hbm>>)
    return
  }
}

</mosaic_0001>

<sc_bundles>
// kernel: kernel.3.cloned.1.call-start
scs
__scs_entry_jumppad:
0x0: {  	(pc) =	sbr.rel $0x88, $3  }
0x1: {  	(tag) =	ssettag $0x0;
	lr =	simm.s32 $0x1  }
0x2: {  	[smem:$0x3F9B] =	sst lr;
	_ =	strace $0xD0000000  }
0x3: {  	_ = 	snop  }
0x4: {  	_ = 	snop  }
0x5: {  	_ = 	snop  }
0x6: {  	_ = 	snop  }
0x7: {  	_ = 	snop  }
__scs_overlays_trampoline_lowered:
0x8: {  	[smem:$0x3FAA] =	sst s0  }
0x9: {  	[smem:$0x3FAB] =	sst s1  }
0xa: {  	[smem:$0x3FAC] =	sst s2  }
0xb: {  	[smem:$0x3FAD] =	sst s3  }
0xc: {  	[smem:$0x3FAE] =	sst s4  }
0xd: {  	[smem:$0x3FAF] =	sst s5  }
0xe: {  	[smem:$0x3FB0] =	sst s6  }
0xf: {  	[smem:$0x3FB1] =	sst s7  }
0x10: {  	[smem:$0x3FB2] =	sst s8  }
0x11: {  	[smem:$0x3FB3] =	sst s9;
	s0 =	simm.s32 @!p0 $0x0  }
0x12: {  	s1 =	sld [smem:$0x3F99];
	s0 =	simm.s32 @p0 $0x1  }
0x13: {  	[smem:$0x3FB4] =	sst s0;
	s0 =	simm.s32 @!p1 $0x0  }
0x14: {  	s2 =	sld [smem:$0x3F98];
	s0 =	simm.s32 @p1 $0x1  }
0x15: {  	[smem:$0x3FB5] =	sst s0;
	s0 =	simm.s32 @!p2 $0x0  }
0x16: {  	s3 =	sld [smem:$0x3FDB];
	s0 =	simm.s32 @p2 $0x1  }
0x17: {  	s4 =	simm.s32 $0x1BF5;
	[smem:$0x3FB7] =	sst s0  }
0x18: {  	s0 =	sld [smem:$0x3F9A];
	_ =	swait.ge [sflag:s4], $0x0  }
0x19: {  	s7 =	sld [smem:$0x3F9B]  }
0x1a: {  	s8 =	sadd.s32 $0xFFFFE003, lr  }
0x1b: {  	s9 =	sadd.s32 $0xFFFFFEF7, lr;
	s5 =	simm.s32 $0xFFFFFFFF;
	p2 =	slt.u32 s8, $0xFFFFF086  }
0x1c: {  	p1 =	slt.u32 s9, $0xF7A;
	s5 =	simm.s32 @!p2 $0x0  }
0x1d: {  	s5 =	simm.s32 @p1 $0x1;
	p0 =	seq.s32 s7, s2  }
0x1e: {  	s7 =	smul.u32 @!p0 $0xF7A, s2;
	p2 =	seq.s32 @!p0 s5, $0x0  }
0x1f: {  	s9 =	smul.u32 $0xF7A, s1;
	s8 =	simm.s32 @!p0 $0x1BF5;
	p2 =	por !p2, p0  }
0x20: {  	[sflag:s8] =	ssyncset.s32 @!p0 $0xFFFFF086;
	s6 =	sadd.s32 @!p0 s3, s7;
	s7 =	simm.s32 @!p0 $0x108  }
0x21: {  	s3 =	sadd.s32 s3, s9;
	s6 =	sadd.s32 @!p0 $0x88, s6;
	s7 =	simm.s32 @p2 $0x1082  }
0x22: {  	[simem:s7], [sflag:s8] =	dma.local @!p0 [hbm:s6], $0xF7A  }
0x23: {  	s9 =	sor.u32 $0xD0000000, s2;
	s6 =	simm.s32 $0x108;
	_ =	swait.ge @!p0 [sflag:s8], $0x0  }
0x24: {  	s3 =	sadd.s32 $0x88, s3;
	s6 =	simm.s32 @!p1 $0x1082;
	[sflag:s4] =	ssyncset.s32 $0xFFFFF086  }
0x25: {  	[simem:s6], [sflag:s4] =	dma.local [hbm:s3], $0xF7A  }
0x26: {  	[smem:$0x3F9B] =	sst s1;
	(tag) =	ssettag s2;
	_ =	strace s9  }
0x27: {  	s1 =	sld [smem:$0x3FAB]  }
0x28: {  	s2 =	sld [smem:$0x3FAC]  }
0x29: {  	s4 =	sld [smem:$0x3FAE]  }
0x2a: {  	p0 =	seq.s32 s5, $0x0;
	s5 =	sld [smem:$0x3FAF]  }
0x2b: {  	s6 =	sld [smem:$0x3FB0]  }
0x2c: {  	s7 =	sld [smem:$0x3FB1]  }
0x2d: {  	s3 =	simm.s32 $0x108;
	s8 =	sld [smem:$0x3FB2]  }
0x2e: {  	s3 =	simm.s32 @!p0 $0x1082;
	s9 =	sld [smem:$0x3FB3]  }
0x2f: {  	lr =	sadd.s32 s0, s3;
	s0 =	sld [smem:$0x3FAA]  }
0x30: {  	s3 =	sld [smem:$0x3FAD]  }
0x31: {  	[smem:$0x3FB6] =	sst s10  }
0x32: {  	s10 =	sld [smem:$0x3FB4];
	_ =	sdelay $0x3  }
0x33: {  	p0 =	seq.s32 s10, $0x1;
	s10 =	sld [smem:$0x3FB6];
	_ =	sdelay $0x3  }
0x34: {  	[smem:$0x3FB6] =	sst s10  }
0x35: {  	s10 =	sld [smem:$0x3FB5];
	_ =	sdelay $0x3  }
0x36: {  	p1 =	seq.s32 s10, $0x1;
	s10 =	sld [smem:$0x3FB6];
	_ =	sdelay $0x3  }
0x37: {  	[smem:$0x3FB6] =	sst s10  }
0x38: {  	s10 =	sld [smem:$0x3FB7]  }
0x39: {  	_ = 	snop;
	(pc) =	sbr.ind lr, $3  }
0x3a: {  	_ = 	snop  }
0x3b: {  	_ = 	snop  }
0x3c: {  	p2 =	seq.s32 s10, $0x1;
	s10 =	sld [smem:$0x3FB6]  }
0x3d: {  	_ =	shalt  }
0x3e: {  	_ =	shalt  }
0x3f: {  	_ =	shalt  }
0x40: {  	_ =	shalt  }
0x41: {  	_ =	shalt  }
0x42: {  	_ =	shalt  }
0x43: {  	_ =	shalt  }
0x44: {  	_ =	shalt  }
0x45: {  	_ =	shalt  }
0x46: {  	_ =	shalt  }
0x47: {  	_ =	shalt  }
0x48: {  	_ =	shalt  }
0x49: {  	_ =	shalt  }
0x4a: {  	_ =	shalt  }
0x4b: {  	_ =	shalt  }
0x4c: {  	_ =	shalt  }
0x4d: {  	_ =	shalt  }
0x4e: {  	_ =	shalt  }
0x4f: {  	_ =	shalt  }
0x50: {  	_ =	shalt  }
0x51: {  	_ =	shalt  }
0x52: {  	_ =	shalt  }
0x53: {  	_ =	shalt  }
0x54: {  	_ =	shalt  }
0x55: {  	_ =	shalt  }
0x56: {  	_ =	shalt  }
0x57: {  	_ =	shalt  }
0x58: {  	_ =	shalt  }
0x59: {  	_ =	shalt  }
0x5a: {  	_ =	shalt  }
0x5b: {  	_ =	shalt  }
0x5c: {  	_ =	shalt  }
0x5d: {  	_ =	shalt  }
0x5e: {  	_ =	shalt  }
0x5f: {  	_ =	shalt  }
0x60: {  	_ =	shalt  }
0x61: {  	_ =	shalt  }
0x62: {  	_ =	shalt  }
0x63: {  	_ =	shalt  }
0x64: {  	_ =	shalt  }
0x65: {  	_ =	shalt  }
0x66: {  	_ =	shalt  }
0x67: {  	_ =	shalt  }
0x68: {  	_ =	shalt  }
0x69: {  	_ =	shalt  }
0x6a: {  	_ =	shalt  }
0x6b: {  	_ =	shalt  }
0x6c: {  	_ =	shalt  }
0x6d: {  	_ =	shalt  }
0x6e: {  	_ =	shalt  }
0x6f: {  	_ =	shalt  }
0x70: {  	_ =	shalt  }
0x71: {  	_ =	shalt  }
0x72: {  	_ =	shalt  }
0x73: {  	_ =	shalt  }
0x74: {  	_ =	shalt  }
0x75: {  	_ =	shalt  }
0x76: {  	_ =	shalt  }
0x77: {  	_ =	shalt  }
0x78: {  	_ =	shalt  }
0x79: {  	_ =	shalt  }
0x7a: {  	_ =	shalt  }
0x7b: {  	_ =	shalt  }
0x7c: {  	_ =	shalt  }
0x7d: {  	_ =	shalt  }
0x7e: {  	_ =	shalt  }
0x7f: {  	_ =	shalt  }
0x80: {  	_ =	shalt  }
0x81: {  	_ =	shalt  }
0x82: {  	_ =	shalt  }
0x83: {  	_ =	shalt  }
0x84: {  	_ =	shalt  }
0x85: {  	_ =	shalt  }
0x86: {  	_ =	shalt  }
0x87: {  	_ =	shalt  }
.Lfunc_end0:
.L_simem_size_0:
called_computation_lowered:
.L_overlay_start_0:
0x88: {  	s2 =	sld [smem:$0x3FD9]  }
0x89: {  	s3 =	sld [smem:$0x3FFE];
	_ =	sdelay $0x1  }
0x8a: {  	s1 =	srdreg.scid  }
0x8b: {  	s0 =	sand.u32 $0x1, s1  }
0x8c: {  	s17 =	sshll.u32 s0, $0xA;
	s2 =	sadd.s32 s3, s2  }
0x8d: {  	s2 =	sadd.s32 s2, s17  }
0x8e: {  	[smem:$0x3FC2] =	sst s2  }
0x8f: {  	_ = 	snop  }
0x90: {  	s2 =	sld [smem:$0x3FC7]  }
0x91: {  	s18 =	sld [smem:$0x3FC6]  }
0x92: {  	s4 =	sld [smem:$0x3FC5]  }
0x93: {  	s5 =	sld [smem:$0x3FC4]  }
0x94: {  	s6 =	sld [smem:$0x3FD0];
	(tm) =	ssettm $0x1  }
0x95: {  	s7 =	sld [smem:$0x3FFB];
	_ =	sdelay $0x3  }
0x96: {  	_ =	strace s7  }
0x97: {  	s7 =	sld [smem:$0x3FFC];
	_ =	sdelay $0x3  }
0x98: {  	_ =	strace s7  }
0x99: {  	s7 =	sld [smem:$0x3FFD];
	_ =	sdelay $0x3  }
0x9a: {  	_ =	strace s7  }
0x9b: {  	_ =	strace $0x8FFFFFFF  }
0x9c: {  	s19 =	sld [smem:$0x3FDB];
	_ =	sdelay $0x1  }
0x9d: {  	s8 =	simm.s32 $_scs_section_size  }
0x9e: {  	s9 =	simm.s32 $_size__tile_overlayer_lowered;
	s10 =	simm.s32 $_tile_overlayer_lowered  }
0x9f: {  	s22 =	simm.s32 $0x1BFF;
	s21 =	sshll.u32 s10, $0x1;
	s7 =	sadd.s32 s8, s19  }
0xa0: {  	s11 =	simm.s32 $0x0;
	s20 =	sshll.u32 s9, $0x1;
	s9 =	sadd.s32 s21, s7  }
0xa1: {  	[timem:s11], [sflag:s22] =	dma.local [hbm:s9], s20  }
0xa2: {  	_ =	swait.ge [sflag:s22], s20  }
0xa3: {  	s8 =	ssub.s32 $0x0, s20;
	[sflag:s22] =	ssyncset.done $0x0  }
0xa4: {  	[sflag:s22] =	ssyncadd.s32 s8;
	_ =	sdelay $0x1  }
0xa5: {  	s23 =	simm.s32 $0x1B8B  }
0xa6: {  	_ =	swait.ge [sflag:s23], $0x1  }
0xa7: {  	[sflag:s23] =	ssyncset.done $0x0  }
0xa8: {  	s25 =	simm.s32 $0x1B8E;
	s24 =	sld [smem:$0x3FFE];
	[sflag:s23] =	ssyncadd.s32 $0xFFFFFFFF  }
0xa9: {  	s26 =	simm.s32 $execute0_lowered;
	[smem:$0x3FD2] =	sst s25  }
0xaa: {  	s9 =	sshll.u32 s26, $0x1;
	_ =	strace $0x80000046;
	[dreg:$0x1] =	wrdreg $0xFFFFFFFF  }
0xab: {  	s28 =	simm.s32 $_size_execute0_lowered;
	s7 =	sadd.s32 s7, s9;
	[dreg:$0x0] =	wrdreg $0x0  }
0xac: {  	s9 =	sshll.u32 s28, $0x1;
	[dreg:$0x2] =	wrdreg s7  }
0xad: {  	[dreg:$0x3] =	wrdreg s9  }
0xae: {  	[dreg:$0x4] =	wrdreg $0xC0  }
0xaf: {  	_ =	task [dreg:s11], $0x5FFFF  }
0xb0: {  	[dreg:$0x1] =	wrdreg $0xFFFFFFFF  }
0xb1: {  	[dreg:$0x0] =	wrdreg $0x60  }
0xb2: {  	[dreg:$0x2] =	wrdreg s24  }
0xb3: {  	[dreg:$0x3] =	wrdreg s2  }
0xb4: {  	[dreg:$0x4] =	wrdreg s18  }
0xb5: {  	[dreg:$0x5] =	wrdreg s4  }
0xb6: {  	[dreg:$0x6] =	wrdreg s5  }
0xb7: {  	[dreg:$0x7] =	wrdreg s6  }
0xb8: {  	[dreg:$0x8] =	wrdreg $0x1B8800  }
0xb9: {  	[dreg:$0x9] =	wrdreg $0x1BEC00  }
0xba: {  	[dreg:$0xa] =	wrdreg $0x9  }
0xbb: {  	_ =	task.clear_ibuf [dreg:s11], $0xBFFFF;
	_ =	strace $0x90000046  }
0xbc: {  	s29 =	simm.s32 $0x9;
	_ =	strace $0x80000048  }
0xbd: {  	_ =	swait.ge [sflag:s29], $0x1  }
0xbe: {  	[sflag:s29] =	ssyncadd.s32 $0xFFFFFFFF  }
0xbf: {  	_ =	strace $0x90000048  }
0xc0: {  	_ =	sfence  }
0xc1: {  	s30 =	sld [smem:$0x0];
	_ =	sdelay $0x2  }
0xc2: {  	s31 =	sshll.u32 s1, $0xD;
	s1 =	sshrl.u32 s1, $0x2  }
0xc3: {  	s3 =	sand.u32 $0x4000, s31;
	s1 =	sadd.s32 s1, s30  }
0xc4: {  	s0 =	sor.u32 s3, s0;
	s1 =	sshll.u32 s1, $0x11  }
0xc5: {  	s0 =	sor.u32 s1, s0  }
0xc6: {  	s0 =	sadd.s32 $0x8F2B, s0  }
0xc7: {  	[sflag:s0] =	ssyncadd.remote.s32 $0x1  }
0xc8: {  	_ =	sfence.sel $0xFFFF  }
0xc9: {  	[dreg:$0x0] =	wrdreg $0xFFFFFFFF;
	(pc) =	sbr.abs _section_cstart, $3  }
0xca: {  	[dreg:$0x1] =	wrdreg $0xFFFFFFFF  }
0xcb: {  	_ =	task.clear_ibuf [dreg:s11], $0x2FFFF;
	_ =	strace $0x9FFFFFFF  }
0xcc: {  	(tm) =	ssettm $0x7FFFFFFF  }
0xcd: {  	_ =	shalt  }
tec
execute0_lowered:
.L_overlay_start_1:
0x0: {  	(tag) =	ssettag $0x1  }
0x1: {  	s1 =	rddreg [dreg:$0x0]  }
0x2: {  	s0 =	rddreg [dreg:$0x1]  }
0x3: {  	s5 =	rddreg [dreg:$0x5]  }
0x4: {  	s6 =	rddreg [dreg:$0x6]  }
0x5: {  	s7 =	rddreg [dreg:$0x7]  }
0x6: {  	s2 =	srdreg.scid;
	s3 =	stileid.u32;
	s8 =	simm.s32 $0x0  }
0x7: {  	s20 =	simm.s32 $0x6;
	s21 =	simm.s32 $0x0;
	s2 =	sand.u32 $0x1, s2  }
0x8: {  	s4 =	sshll.u32 s3, $0x1;
	[smem:$0x7FF] =	sst s8;
	s12 =	smul.u32 $0x64, s3  }
0x9: {  	s9 =	sadd.s32 $0x800, s1;
	s1 =	sadd.s32 $0x600, s1;
	s13 =	smul.u32 $0x190000, s3  }
0xa: {  	p0 =	sne.s32 s3, $0x0;
	s31 =	sshrl.u32 s7, $0x3;
	s26 =	smul.u32 $0x32, s2  }
0xb: {  	s4 =	sor.u32 s2, s4;
	s10 =	ssub.s32 $0x2, s2;
	s2 =	smul.u32 $0xC8000, s2  }
0xc: {  	s3 =	simm.s32 $0x3;
	_ =	strace $0x80000047;
	s22 =	smul.u32 $0x640, s4  }
0xd: {  	[dreg:$0x9] =	wrdreg s1;
	s11 =	smul.u32 $0x3200, s4;
	s23 =	sshrl.u32 s10, $0x1  }
0xe: {  	[dreg:$0x10] =	wrdreg s31;
	s4 =	smul.u32 $0xC8000, s4;
	s1 =	ssub.s32 s10, s23  }
0xf: {  	s2 =	sadd.s32 s2, s13;
	s11 =	sshrl.u32 s11, $0x3;
	s24 =	sadd.s32 s9, s22  }
0x10: {  	s4 =	sshrl.u32 s4, $0x3;
	s1 =	smax.u32 s1, $0x1;
	s17 =	sadd.s32 $0xFFFFC000, s2  }
0x11: {  	s22 =	simm.s32 $0x5;
	s25 =	sadd.s32 s9, s11;
	[dreg:$0xa] =	wrdreg s24  }
0x12: {  	s10 =	sadd.s32 $0x20, s24;
	s11 =	sadd.s32 s26, s12;
	s4 =	sadd.s32 s5, s4  }
0x13: {  	[dreg:$0xf] =	wrdreg s1;
	s24 =	simm.s32 $0x1;
	s1 =	simm.s32 $0x2  }
0x14: {  	[dreg:$0xb] =	wrdreg s10;
	s28 =	sadd.s32 $0x40, s25;
	s8 =	sadd.s32 $0x60, s25  }
0x15: {  	s29 =	sshll.u32 s11, $0x5;
	s4 =	sadd.s32 $0x18800, s4;
	[dreg:$0xc] =	wrdreg s28  }
0x16: {  	s25 =	simm.s32 $0x80;
	[dreg:$0xd] =	wrdreg s8;
	s30 =	sadd.s32 s9, s29  }
0x17: {  	[dreg:$0xe] =	wrdreg s4;
	s4 =	simm.s32 $0x4;
	s8 =	sadd.s32 $0x80, s30  }
.LBB2_1:
.Ltmp0:
0x18: {  	(pc) =	sbr.rel @p0 .LBB2_5-.Ltmp0, $1  }
0x19: {  	_ =	sdelay $0x3  }
0x1a: {  	s2 =	rddreg [dreg:$0x4]  }
0x1b: {  	s9 =	rddreg [dreg:$0x10];
	s10 =	simm.s32 $0x1C06  }
0x1c: {  	[spmem:s9], [sflag:s10] =	dma.local [hbm:s2], $0x2000  }
0x1d: {  	_ =	swait.ge [sflag:s20], $0x2000  }
0x1e: {  	[sflag:s20] =	ssyncset.done $0x0  }
0x1f: {  	[sflag:s20] =	ssyncadd.s32 $0xFFFFE000  }
0x20: {  	s28 =	simm.s32 $0x0;
	s29 =	simm.s32 $0x15400;
	s26 =	rddreg [dreg:$0x2]  }
0x21: {  	[tilespmem:s29], [sflag:$0x6] =	stream.linear.gather [hbm4b:s26+s28], $0x6400, $0x38;
	[tilespmem:$0x1CEC0] =	vst v63  }
0x22: {  	_ =	swait.ge [sflag:s20], $0x6400  }
0x23: {  	[sflag:s20] =	ssyncset.done $0x0  }
0x24: {  	[sflag:s20] =	ssyncadd.s32 $0xFFFF9C00  }
0x25: {  	s31 =	simm.s32 $0x1B800;
	s30 =	rddreg [dreg:$0x3]  }
0x26: {  	[tilespmem:s31], [sflag:$0x6] =	stream.linear.gather [hbm4b:s30+s28], $0x80, $0x38;
	[tilespmem:$0x1CEC0] =	vst v63  }
0x27: {  	_ =	swait.ge [sflag:s20], $0x80  }
0x28: {  	[sflag:s20] =	ssyncset.done $0x0  }
0x29: {  	[sflag:s20] =	ssyncadd.s32 $0xFFFFFF80  }
0x2a: {  	s18 =	simm.s32 $0x15480;
	v0 =	vld [tilespmem:$0x1B800]  }
0x2b: {  	v1 =	vld [tilespmem:s18+$0x0];
	_ =	sdelay $0x4  }
0x2c: {  	v1 =	vadd.f32 v1, v0  }
0x2d: {  	v2 =	vld [tilespmem:s18+$0xFFFFFF80]  }
0x2e: {  	[tilespmem:s18+$0x0] =	vst v1;
	v1 =	vld [tilespmem:s18+$0x10]  }
0x2f: {  	v3 =	vld [tilespmem:$0x1B810];
	_ =	sdelay $0x2  }
0x30: {  	v0 =	vadd.f32 v0, v2;
	_ =	sdelay $0x1  }
0x31: {  	v4 =	vld [tilespmem:s18+$0xFFFFFF90];
	[tilespmem:s18+$0xFFFFFF80] =	vst v0;
	v1 =	vadd.f32 v3, v1  }
0x32: {  	v0 =	vld [tilespmem:$0x1B810]  }
0x33: {  	[tilespmem:s18+$0x10] =	vst v1;
	v1 =	vld [tilespmem:s18+$0x20]  }
0x34: {  	v3 =	vld [tilespmem:$0x1B820];
	_ =	sdelay $0x2  }
0x35: {  	v0 =	vadd.f32 v0, v4  }
0x36: {  	v5 =	vld [tilespmem:s18+$0xFFFFFFA0]  }
0x37: {  	v6 =	vld [tilespmem:s18+$0xFFFFFFC0];
	[tilespmem:s18+$0xFFFFFF90] =	vst v0;
	v0 =	vadd.f32 v3, v1  }
0x38: {  	v3 =	vld [tilespmem:$0x1B820]  }
0x39: {  	[tilespmem:s18+$0x20] =	vst v0;
	v0 =	vld [tilespmem:s18+$0x30]  }
0x3a: {  	v7 =	vld [tilespmem:$0x1B830]  }
0x3b: {  	s23 =	simm.s32 $0x15580;
	v9 =	vld [tilespmem:s18+$0x40]  }
0x3c: {  	v10 =	vld [tilespmem:s23+$0xFFFFFF80]  }
0x3d: {  	v11 =	vld [tilespmem:s23+$0xFFFFFF90]  }
0x3e: {  	v2 =	vld [tilespmem:s18+$0xFFFFFFB0];
	v3 =	vadd.f32 v3, v5  }
0x3f: {  	v5 =	vld [tilespmem:$0x1B800];
	v7 =	vadd.f32 v7, v0  }
0x40: {  	[tilespmem:s18+$0xFFFFFFA0] =	vst v3;
	v3 =	vld [tilespmem:s23+$0x0]  }
0x41: {  	v8 =	vld [tilespmem:$0x1B830];
	[tilespmem:s18+$0x30] =	vst v7  }
0x42: {  	v7 =	vld [tilespmem:$0x1B840]  }
0x43: {  	v12 =	vld [tilespmem:s23+$0xFFFFFFA0]  }
0x44: {  	v13 =	vld [tilespmem:s18+$0x50];
	v10 =	vadd.f32 v5, v10  }
0x45: {  	v4 =	vld [tilespmem:s18+$0xFFFFFFD0];
	v3 =	vadd.f32 v3, v5  }
0x46: {  	v1 =	vld [tilespmem:s18+$0xFFFFFFE0];
	[tilespmem:s23+$0xFFFFFF80] =	vst v10;
	v2 =	vadd.f32 v8, v2  }
0x47: {  	[tilespmem:s23+$0x0] =	vst v3;
	v3 =	vld [tilespmem:s23+$0x10];
	v7 =	vadd.f32 v7, v9  }
0x48: {  	[tilespmem:s18+$0xFFFFFFB0] =	vst v2;
	v2 =	vld [tilespmem:$0x1B810]  }
0x49: {  	v9 =	vld [tilespmem:$0x1B810];
	[tilespmem:s18+$0x40] =	vst v7  }
0x4a: {  	v7 =	vld [tilespmem:$0x1B850]  }
0x4b: {  	v0 =	vld [tilespmem:s18+$0xFFFFFFF0]  }
0x4c: {  	v8 =	vld [tilespmem:$0x1B840]  }
0x4d: {  	v5 =	vld [tilespmem:s23+$0xFFFFFFB0]  }
0x4e: {  	v10 =	vld [tilespmem:s18+$0x60];
	v9 =	vadd.f32 v9, v3  }
0x4f: {  	v11 =	vadd.f32 v2, v11;
	v2 =	vld [tilespmem:s23+$0xFFFFFFD0];
	v7 =	vadd.f32 v7, v13  }
0x50: {  	[tilespmem:s23+$0x10] =	vst v9;
	v9 =	vld [tilespmem:s23+$0x20]  }
0x51: {  	v6 =	vadd.f32 v8, v6;
	v13 =	vld [tilespmem:$0x1B820];
	[tilespmem:s18+$0x50] =	vst v7  }
0x52: {  	[tilespmem:s23+$0xFFFFFF90] =	vst v11;
	v7 =	vld [tilespmem:$0x1B860]  }
0x53: {  	v8 =	vld [tilespmem:$0x1B820];
	[tilespmem:s18+$0xFFFFFFC0] =	vst v6  }
0x54: {  	v14 =	vld [tilespmem:$0x1B850]  }
0x55: {  	v3 =	vld [tilespmem:s23+$0xFFFFFFC0]  }
0x56: {  	v6 =	vld [tilespmem:s23+$0xFFFFFFE0];
	v9 =	vadd.f32 v13, v9  }
0x57: {  	v13 =	vadd.f32 v7, v10;
	v7 =	vld [tilespmem:s18+$0x70]  }
0x58: {  	v8 =	vadd.f32 v8, v12;
	[tilespmem:s23+$0x20] =	vst v9;
	v10 =	vld [tilespmem:s23+$0x30]  }
0x59: {  	v4 =	vadd.f32 v14, v4;
	v11 =	vld [tilespmem:$0x1B830];
	[tilespmem:s18+$0x60] =	vst v13  }
0x5a: {  	[tilespmem:s23+$0xFFFFFFA0] =	vst v8;
	v8 =	vld [tilespmem:$0x1B870]  }
0x5b: {  	v12 =	vld [tilespmem:$0x1B830];
	[tilespmem:s18+$0xFFFFFFD0] =	vst v4  }
0x5c: {  	v9 =	vld [tilespmem:$0x1B860]  }
0x5d: {  	s16 =	simm.s32 $0x15580;
	s2 =	simm.s32 $0x2;
	v4 =	vld [tilespmem:s23+$0xFFFFFFF0]  }
.LBB2_3:
0x5e: {  	v13 =	vld [tilespmem:$0x1B800];
	v10 =	vadd.f32 v11, v10  }
0x5f: {  	s16 =	sadd.s32 $0x100, s16;
	v11 =	vld [tilespmem:s23+$0x40];
	v7 =	vadd.f32 v8, v7  }
0x60: {  	s2 =	sadd.s32 $0x2, s2;
	v8 =	vld [tilespmem:s16+$0x0];
	v5 =	vadd.f32 v12, v5;
	[tilespmem:s23+$0x30] =	vst v10  }
0x61: {  	p1 =	slt.u32 s2, $0xC6;
	v10 =	vld [tilespmem:$0x1B840];
	v9 =	vadd.f32 v9, v1;
	[tilespmem:s18+$0x70] =	vst v7;
	v1 =	vmov v6  }
0x62: {  	v6 =	vld [tilespmem:s16+$0xFFFFFF80];
	[tilespmem:s23+$0xFFFFFFB0] =	vst v5  }
0x63: {  	v7 =	vld [tilespmem:s16+$0xFFFFFF90];
	[tilespmem:s18+$0xFFFFFFE0] =	vst v9  }
0x64: {  	v9 =	vld [tilespmem:s16+$0xFFFFFFA0]  }
0x65: {  	v5 =	vld [tilespmem:s16+$0xFFFFFFB0];
	v8 =	vadd.f32 v8, v13  }
0x66: {  	v10 =	vadd.f32 v10, v11;
	v11 =	vld [tilespmem:s23+$0x50]  }
0x67: {  	v6 =	vadd.f32 v13, v6;
	[tilespmem:s16+$0x0] =	vst v8;
	v8 =	vld [tilespmem:s16+$0x10]  }
0x68: {  	v12 =	vld [tilespmem:$0x1B810];
	[tilespmem:s23+$0x40] =	vst v10  }
0x69: {  	[tilespmem:s16+$0xFFFFFF80] =	vst v6;
	v6 =	vld [tilespmem:$0x1B850]  }
0x6a: {  	v10 =	vld [tilespmem:$0x1B810]  }
0x6b: {  	v13 =	vld [tilespmem:$0x1B840]  }
0x6c: {  	v14 =	vld [tilespmem:s16+$0xFFFFFFC0]  }
0x6d: {  	v15 =	vld [tilespmem:s16+$0xFFFFFFD0];
	v8 =	vadd.f32 v12, v8  }
0x6e: {  	v6 =	vadd.f32 v6, v11;
	v11 =	vld [tilespmem:s23+$0x60]  }
0x6f: {  	v7 =	vadd.f32 v10, v7;
	[tilespmem:s16+$0x10] =	vst v8;
	v8 =	vld [tilespmem:s16+$0x20]  }
0x70: {  	v10 =	vld [tilespmem:$0x1B820];
	v12 =	vadd.f32 v13, v3;
	[tilespmem:s23+$0x50] =	vst v6  }
0x71: {  	[tilespmem:s16+$0xFFFFFF90] =	vst v7;
	v7 =	vld [tilespmem:$0x1B860];
	v3 =	vmov v14  }
0x72: {  	v13 =	vld [tilespmem:$0x1B820];
	[tilespmem:s23+$0xFFFFFFC0] =	vst v12  }
0x73: {  	v12 =	vld [tilespmem:$0x1B850]  }
0x74: {  	v6 =	vld [tilespmem:s16+$0xFFFFFFE0]  }
0x75: {  	v8 =	vadd.f32 v10, v8;
	v14 =	vld [tilespmem:$0x1B870]  }
0x76: {  	v16 =	vadd.f32 v7, v11;
	v7 =	vld [tilespmem:s23+$0x70]  }
0x77: {  	v9 =	vadd.f32 v13, v9;
	[tilespmem:s16+$0x20] =	vst v8;
	v10 =	vld [tilespmem:s16+$0x30]  }
.Ltmp1:
0x78: {  	v11 =	vld [tilespmem:$0x1B830];
	v13 =	vadd.f32 v12, v2;
	[tilespmem:s23+$0x60] =	vst v16;
	v2 =	vmov v15;
	(pc) =	sbr.rel @p1 .LBB2_3-.Ltmp1, $4  }
0x79: {  	[tilespmem:s16+$0xFFFFFFA0] =	vst v9;
	v8 =	vld [tilespmem:$0x1B870]  }
0x7a: {  	v12 =	vld [tilespmem:$0x1B830];
	[tilespmem:s23+$0xFFFFFFD0] =	vst v13;
	v13 =	vadd.f32 v14, v0;
	v0 =	vmov v4  }
0x7b: {  	v9 =	vld [tilespmem:$0x1B860]  }
0x7c: {  	v4 =	vld [tilespmem:s16+$0xFFFFFFF0];
	[tilespmem:s18+$0xFFFFFFF0] =	vst v13;
	s18 =	smov.u32 s23;
	s23 =	smov.u32 s16  }
0x7d: {  	_ = 	snop  }
0x7e: {  	v10 =	vadd.f32 v11, v10  }
0x7f: {  	v5 =	vadd.f32 v12, v5  }
0x80: {  	v55 =	vld [tilespmem:s23+$0x40];
	[tilespmem:s23+$0x30] =	vst v10  }
0x81: {  	v10 =	vld [tilespmem:$0x1B840];
	[tilespmem:s23+$0xFFFFFFB0] =	vst v5  }
0x82: {  	v5 =	vld [tilespmem:$0x1B840];
	_ =	sdelay $0x3  }
0x83: {  	v10 =	vadd.f32 v10, v55  }
0x84: {  	v3 =	vadd.f32 v5, v3  }
0x85: {  	v56 =	vld [tilespmem:s23+$0x50];
	[tilespmem:s23+$0x40] =	vst v10  }
0x86: {  	v57 =	vld [tilespmem:$0x1B850];
	[tilespmem:s23+$0xFFFFFFC0] =	vst v3  }
0x87: {  	v3 =	vld [tilespmem:$0x1B850];
	_ =	sdelay $0x3  }
0x88: {  	v5 =	vadd.f32 v57, v56  }
0x89: {  	v2 =	vadd.f32 v3, v2  }
0x8a: {  	v58 =	vld [tilespmem:s23+$0x60];
	[tilespmem:s23+$0x50] =	vst v5  }
0x8b: {  	v59 =	vld [tilespmem:$0x1B860];
	[tilespmem:s23+$0xFFFFFFD0] =	vst v2  }
0x8c: {  	v2 =	vld [tilespmem:$0x1B860];
	_ =	sdelay $0x2  }
0x8d: {  	v1 =	vadd.f32 v9, v1  }
0x8e: {  	v3 =	vadd.f32 v59, v58  }
0x8f: {  	v60 =	vld [tilespmem:s23+$0x70];
	[tilespmem:s18+$0xFFFFFFE0] =	vst v1;
	v2 =	vadd.f32 v2, v6  }
0x90: {  	v61 =	vld [tilespmem:$0x1B870];
	[tilespmem:s23+$0x60] =	vst v3  }
0x91: {  	v3 =	vld [tilespmem:$0x1B870];
	[tilespmem:s23+$0xFFFFFFE0] =	vst v2  }
0x92: {  	v2 =	vld [tilespmem:$0x1B870];
	_ =	sdelay $0x1  }
0x93: {  	v62 =	vadd.f32 v8, v7  }
0x94: {  	v0 =	vadd.f32 v61, v0  }
0x95: {  	[tilespmem:s18+$0x70] =	vst v62;
	v1 =	vadd.f32 v3, v60  }
0x96: {  	[tilespmem:s18+$0xFFFFFFF0] =	vst v0;
	v63 =	vadd.f32 v2, v4  }
0x97: {  	[tilespmem:s23+$0x70] =	vst v1  }
0x98: {  	s2 =	simm.s32 $0x15400;
	[tilespmem:s23+$0xFFFFFFF0] =	vst v63  }
0x99: {  	[spmem:s6] =	stream.linear.scatter [tilespmem:s2], [sflag:$0x6], $0x6400, $0x38;
	[tilespmem:$0x1CEC0] =	vst v63  }
0x9a: {  	_ =	swait.ge [sflag:s20], $0x6400  }
0x9b: {  	[sflag:s20] =	ssyncset.done $0x0  }
0x9c: {  	[sflag:s20] =	ssyncadd.s32 $0xFFFF9C00  }
.LBB2_5:
0x9d: {  	s18 =	simm.s32 $0x0;
	s2 =	rddreg [dreg:$0x9];
	s9 =	simm.s32 $0x14400  }
0x9e: {  	[tilespmem:s9], [sflag:$0x6] =	stream.linear.gather [hbm4b:s2+s18], $0xC80, $0x38;
	[tilespmem:$0x1CEC0] =	vst v63  }
0x9f: {  	_ =	swait.ge [sflag:s20], $0xC80  }
0xa0: {  	[sflag:s20] =	ssyncset.done $0x0  }
0xa1: {  	[sflag:s20] =	ssyncadd.s32 $0xFFFFF380  }
0xa2: {  	s11 =	simm.s32 $0x400;
	[bflag:$0x0] =	sbarrier.arrive $0xFFFF  }
0xa3: {  	s13 =	simm.s32 $0x100;
	s14 =	simm.s32 $0x4400;
	s10 =	rddreg [dreg:$0xa]  }
0xa4: {  	[tilespmem:s18], [sflag:$0x1] =	stream.linear.gather [hbm4b:s10+s18], $0x100, $0x38;
	[tilespmem:$0x1CEC0] =	vst v63  }
0xa5: {  	s16 =	simm.s32 $0x200;
	p2 =	por $0x1, $0x1;
	_ =	swait.ge [sflag:s24], $0x100  }
0xa6: {  	s19 =	simm.s32 $0x8400;
	s2 =	simm.s32 @!p2 $0xFFFFFFFF;
	[sflag:s24] =	ssyncset.done $0x0  }
0xa7: {  	s26 =	simm.s32 $0x300;
	s2 =	sand.u32 @!p2 $0xFF, s2;
	[sflag:s24] =	ssyncadd.s32 $0xFFFFFF00  }
0xa8: {  	[tilespmem:s11], [sflag:$0x2] =	stream.indirect.gather [hbm4b:s0+s25], $0x80, s18, s25, $0xb8;
	[tilespmem:$0x1CEC0] =	vst v63  }
0xa9: {  	p1 =	por $0x0, $0x0;
	s2 =	smul.u32 @!p2 $0xCD, s2;
	s12 =	rddreg [dreg:$0xb]  }
0xaa: {  	[tilespmem:s13], [sflag:$0x1] =	stream.linear.gather [hbm4b:s12+s18], $0x100, $0x38;
	[tilespmem:$0x1CEC0] =	vst v63  }
0xab: {  	p3 =	por $0x0, $0x0;
	s29 =	simm.s32 $0x1000;
	_ =	swait.ge [sflag:s24], $0x100  }
0xac: {  	s31 =	sadd.s32 $0x20, s8;
	s2 =	sshrl.u32 @!p2 s2, $0xA;
	[sflag:s24] =	ssyncset.done $0x0  }
0xad: {  	s9 =	sshrl.u32 @!p2 s17, $0x3;
	s2 =	smul.u32 @!p2 $0x5, s2;
	[sflag:s24] =	ssyncadd.s32 $0xFFFFFF00  }
0xae: {  	[tilespmem:s14], [sflag:$0x2] =	stream.indirect.gather [hbm4b:s0+s25], $0x80, s13, s25, $0xb8;
	[tilespmem:$0x1CEC0] =	vst v63  }
0xaf: {  	s2 =	ssub.s32 @!p2 $0xFFFFFFFF, s2;
	s11 =	smul.u32 $0xCD, s18;
	s15 =	rddreg [dreg:$0xc]  }
0xb0: {  	[tilespmem:s16], [sflag:$0x1] =	stream.linear.gather [hbm4b:s15+s18], $0x100, $0x38;
	[tilespmem:$0x1CEC0] =	vst v63  }
0xb1: {  	s9 =	sadd.s32 @!p2 s5, s9;
	s2 =	sand.u32 @!p2 $0xFF, s2;
	_ =	swait.ge [sflag:s24], $0x100  }
0xb2: {  	s2 =	sshll.u32 @!p2 s2, $0xE;
	s11 =	sshrl.u32 s11, $0xA;
	[sflag:s24] =	ssyncset.done $0x0  }
0xb3: {  	s2 =	sor.u32 @!p2 $0x400, s2;
	s11 =	sand.u32 $0x3F, s11;
	[sflag:s24] =	ssyncadd.s32 $0xFFFFFF00  }
0xb4: {  	[tilespmem:s19], [sflag:$0x2] =	stream.indirect.gather [hbm4b:s0+s25], $0x80, s16, s25, $0xb8;
	[tilespmem:$0x1CEC0] =	vst v63  }
0xb5: {  	s11 =	smul.u32 $0x5, s11;
	s13 =	simm.s32 @!p2 $0x4;
	s23 =	rddreg [dreg:$0xd]  }
0xb6: {  	[tilespmem:s26], [sflag:$0x1] =	stream.linear.gather [hbm4b:s23+s18], $0x100, $0x38;
	[tilespmem:$0x1CEC0] =	vst v63  }
0xb7: {  	s12 =	simm.s32 @!p2 $0x0;
	s11 =	ssub.s32 $0x0, s11;
	_ =	swait.ge @!p2 [sflag:s13], $0x4000  }
0xb8: {  	s28 =	sand.u32 $0xFF, s11;
	s16 =	simm.s32 $0x0;
	[sflag:s13] =	ssyncset.done @!p2 $0x0  }
0xb9: {  	s19 =	simm.s32 $0x3;
	s16 =	sand.u32 $0xC00, s16;
	[sflag:s13] =	ssyncadd.s32 @!p2 $0xFFFFC000  }
0xba: {  	[hbm4b:s9+s12] =	stream.linear.scatter @!p2 [tilespmem:s2], [sflag:$0x5], $0x4000, $0x38;
	[tilespmem:$0x1CEC0] =	vst v63  }
0xbb: {  	s11 =	sshrl.u32 s16, $0x2;
	s23 =	simm.s32 $0x1;
	s9 =	smul.u32 @!p1 $0xCD, s19  }
0xbc: {  	s30 =	sor.u32 $0x80, s11;
	s2 =	sshll.u32 s28, $0xE;
	_ =	swait.ge [sflag:s1], $0x4000  }
0xbd: {  	s12 =	simm.s32 @!p1 $0x1;
	[sflag:s1] =	ssyncset.done $0x0;
	s9 =	sshrl.u32 @!p1 s9, $0xA  }
0xbe: {  	s19 =	sor.u32 $0x400, s2;
	[sflag:s1] =	ssyncadd.s32 $0xFFFFC000;
	s9 =	sand.u32 @!p1 $0x3F, s9  }
0xbf: {  	[tilespmem:s19], [sflag:$0x3] =	stream.indirect.gather.add.f32 [spmem:s7], $0x80, s30, s25, $0xb8;
	[tilespmem:$0x1CEC0] =	vst v63  }
0xc0: {  	p2 =	por @!p1 $0x1, $0x1;
	s9 =	smul.u32 @!p1 $0x5, s9;
	_ =	swait.ge @!p1 [sflag:s12], $0x100  }
0xc1: {  	s2 =	simm.s32 $0xC00;
	p2 =	por p2, p1;
	[sflag:s12] =	ssyncset.done @!p1 $0x0  }
0xc2: {  	s9 =	ssub.s32 @!p1 $0x3, s9;
	[sflag:s12] =	ssyncadd.s32 @!p1 $0xFFFFFF00;
	s12 =	simm.s32 @!p2 $0x5  }
0xc3: {  	s2 =	sand.u32 @!p1 $0xC00, s2;
	s9 =	sand.u32 @!p1 $0xFF, s9;
	_ =	swait.ge @!p2 [sflag:s12], $0x4000  }
0xc4: {  	s2 =	sshrl.u32 @!p1 s2, $0x2;
	s9 =	sshll.u32 @!p1 s9, $0xE;
	[sflag:s12] =	ssyncset.done @!p2 $0x0  }
0xc5: {  	s9 =	sor.u32 @!p1 $0x400, s9;
	[sflag:s12] =	ssyncadd.s32 @!p2 $0xFFFFC000;
	s12 =	simm.s32 @!p1 $0x80  }
0xc6: {  	[tilespmem:s9], [sflag:$0x2] =	stream.indirect.gather @!p1 [hbm4b:s0+s12], $0x80, s2, s12, $0xb8;
	[tilespmem:$0x1CEC0] =	vst v63  }
0xc7: {  	s26 =	simm.s32 $0x200;
	s16 =	smov.u32 s8;
	_ =	swait.ge [sflag:s3], $0x4000  }
0xc8: {  	s13 =	simm.s32 $0xFFFFCE00;
	p2 =	por $0x1, $0x1;
	[sflag:s3] =	ssyncset.done $0x0  }
0xc9: {  	s12 =	simm.s32 @!p3 $0x0;
	s2 =	sadd.s32 $0x4000, s17;
	[sflag:s3] =	ssyncadd.s32 $0xFFFFC000  }
.LBB2_6:
0xca: {  	[tilespmem:s11], [sflag:$0x1] =	stream.linear.gather @!p3 [hbm4b:s16+s12], $0x100, $0x38;
	[tilespmem:$0x1CEC0] =	vst v63  }
0xcb: {  	s9 =	smov.u32 s23;
	s16 =	smov.u32 s31  }
0xcc: {  	s23 =	sadd.s32 $0x1, s23;
	s13 =	smov.u32 @p2 s18;
	p3 =	seq.s32 s9, $0x0  }
0xcd: {  	p1 =	sne.s32 s23, $0x32;
	s11 =	sadd.s32 @!p3 $0xFFFFFFFF, s9;
	s12 =	sshrl.u32 @!p3 s2, $0x3  }
0xce: {  	s13 =	sshra.s32 s13, $0x2;
	s18 =	sand.u32 @!p3 $0xFF, s11;
	s12 =	sadd.s32 @!p3 s5, s12  }
0xcf: {  	s13 =	sadd.s32 $0x14400, s13;
	s14 =	smul.u32 @!p3 $0xCD, s18;
	s18 =	smov.u32 s26  }
0xd0: {  	[tilespmem:s19], [sflag:$0x4] =	stream.indirect.gather.add.f32 [spmem:s6], $0x80, s13, s25, $0xb8;
	[tilespmem:$0x1CEC0] =	vst v63  }
0xd1: {  	s19 =	smul.u32 $0xCD, s9;
	s13 =	sshrl.u32 @!p3 s14, $0xA;
	s14 =	simm.s32 @!p3 $0x0  }
0xd2: {  	s10 =	sadd.s32 $0xFFFFF400, s29;
	s15 =	simm.s32 @!p3 $0x4;
	s13 =	smul.u32 @!p3 $0x5, s13  }
0xd3: {  	s28 =	sadd.s32 $0x3, s9;
	p2 =	sgt.u32 s9, $0x2E;
	s19 =	sshrl.u32 s19, $0xA  }
0xd4: {  	s30 =	simm.s32 @!p2 $0x1;
	s11 =	ssub.s32 @!p3 s11, s13;
	s13 =	sand.u32 $0x3F, s19  }
0xd5: {  	_ =	swait.ge @!p3 [sflag:s15], $0x4000;
	s11 =	sand.u32 @!p3 $0xFF, s11;
	s13 =	smul.u32 $0x5, s13  }
0xd6: {  	s10 =	sand.u32 $0xC00, s10;
	[sflag:s15] =	ssyncset.done @!p3 $0x0;
	s11 =	sshll.u32 @!p3 s11, $0xE  }
0xd7: {  	[sflag:s15] =	ssyncadd.s32 @!p3 $0xFFFFC000;
	s11 =	sor.u32 @!p3 $0x400, s11;
	s13 =	ssub.s32 s9, s13  }
0xd8: {  	[hbm4b:s12+s14] =	stream.linear.scatter @!p3 [tilespmem:s11], [sflag:$0x5], $0x4000, $0x38;
	[tilespmem:$0x1CEC0] =	vst v63  }
0xd9: {  	s11 =	sand.u32 $0xFF, s13;
	s12 =	smul.u32 @!p2 $0xCD, s28;
	_ =	swait.ge [sflag:s1], $0x4000  }
0xda: {  	s13 =	sshll.u32 s11, $0xE;
	s11 =	sshrl.u32 s10, $0x2;
	[sflag:s1] =	ssyncset.done $0x0  }
0xdb: {  	s19 =	sor.u32 $0x400, s13;
	s10 =	sor.u32 $0x80, s11;
	[sflag:s1] =	ssyncadd.s32 $0xFFFFC000  }
0xdc: {  	[tilespmem:s19], [sflag:$0x3] =	stream.indirect.gather.add.f32 [spmem:s7], $0x80, s10, s25, $0xb8;
	[tilespmem:$0x1CEC0] =	vst v63  }
0xdd: {  	p3 =	slt.u32 @!p2 s9, $0x2;
	s10 =	sshrl.u32 @!p2 s12, $0xA;
	_ =	swait.ge @!p2 [sflag:s30], $0x100  }
0xde: {  	p3 =	por p3, p2;
	s10 =	sand.u32 @!p2 $0x3F, s10;
	[sflag:s30] =	ssyncset.done @!p2 $0x0  }
0xdf: {  	s12 =	simm.s32 @!p3 $0x5;
	s10 =	smul.u32 @!p2 $0x5, s10;
	[sflag:s30] =	ssyncadd.s32 @!p2 $0xFFFFFF00  }
0xe0: {  	s13 =	sand.u32 @!p2 $0xC00, s29;
	_ =	swait.ge @!p3 [sflag:s12], $0x4000  }
0xe1: {  	s13 =	sshrl.u32 @!p2 s13, $0x2;
	s10 =	ssub.s32 @!p2 s28, s10;
	[sflag:s12] =	ssyncset.done @!p3 $0x0  }
0xe2: {  	s10 =	sand.u32 @!p2 $0xFF, s10;
	[sflag:s12] =	ssyncadd.s32 @!p3 $0xFFFFC000;
	s12 =	simm.s32 @!p2 $0x80  }
0xe3: {  	s26 =	sadd.s32 $0x200, s26;
	s10 =	sshll.u32 @!p2 s10, $0xE  }
.Ltmp2:
0xe4: {  	p3 =	sgt.u32 s9, $0x2D;
	s10 =	sor.u32 @!p2 $0x400, s10;
	(pc) =	sbr.rel @p1 .LBB2_6-.Ltmp2, $4  }
0xe5: {  	[tilespmem:s10], [sflag:$0x2] =	stream.indirect.gather @!p2 [hbm4b:s0+s12], $0x80, s13, s12, $0xb8;
	[tilespmem:$0x1CEC0] =	vst v63  }
0xe6: {  	s29 =	sadd.s32 $0x400, s29;
	s12 =	simm.s32 @!p3 $0x0;
	_ =	swait.ge [sflag:s3], $0x4000  }
0xe7: {  	s31 =	sadd.s32 $0x20, s31;
	s2 =	sadd.s32 $0x4000, s2;
	[sflag:s3] =	ssyncset.done $0x0  }
0xe8: {  	p2 =	slt.u32 s9, $0x19;
	s13 =	sadd.s32 $0xFFFFCE00, s18;
	[sflag:s3] =	ssyncadd.s32 $0xFFFFC000  }
0xe9: {  	[tilespmem:s11], [sflag:$0x1] =	stream.linear.gather @!p3 [hbm4b:s16+s12], $0x100, $0x38;
	[tilespmem:$0x1CEC0] =	vst v63  }
0xea: {  	s13 =	smov.u32 @p2 s18  }
0xeb: {  	s2 =	sshra.s32 s13, $0x2  }
0xec: {  	s2 =	sadd.s32 $0x14400, s2  }
0xed: {  	[tilespmem:s19], [sflag:$0x4] =	stream.indirect.gather.add.f32 [spmem:s6], $0x80, s2, s25, $0xb8;
	[tilespmem:$0x1CEC0] =	vst v63  }
0xee: {  	_ =	swait.ge [sflag:s4], $0x4000  }
0xef: {  	s30 =	simm.s32 $0x0;
	[sflag:s4] =	ssyncset.done $0x0  }
0xf0: {  	s10 =	simm.s32 $0x10400;
	s9 =	rddreg [dreg:$0xe];
	[sflag:s4] =	ssyncadd.s32 $0xFFFFC000  }
0xf1: {  	[hbm4b:s9+s30] =	stream.linear.scatter [tilespmem:s10], [sflag:$0x5], $0x4000, $0x38;
	[tilespmem:$0x1CEC0] =	vst v63  }
0xf2: {  	_ =	swait.ge [sflag:s22], $0x4000  }
0xf3: {  	[sflag:s22] =	ssyncset.done $0x0  }
0xf4: {  	[sflag:s22] =	ssyncadd.s32 $0xFFFFC000  }
0xf5: {  	_ =	swait.ge [sflag:s22], $0x4000  }
0xf6: {  	[sflag:s22] =	ssyncset.done $0x0  }
0xf7: {  	[sflag:s22] =	ssyncadd.s32 $0xFFFFC000  }
0xf8: {  	_ =	swait.ge [sflag:s22], $0x4000  }
0xf9: {  	[sflag:s22] =	ssyncset.done $0x0  }
0xfa: {  	[sflag:s22] =	ssyncadd.s32 $0xFFFFC000  }
0xfb: {  	_ =	swait.ge [sflag:s22], $0x4000  }
0xfc: {  	[sflag:s22] =	ssyncset.done $0x0  }
0xfd: {  	[sflag:s22] =	ssyncadd.s32 $0xFFFFC000  }
0xfe: {  	_ =	swait.ge [sflag:s22], $0x4000  }
0xff: {  	s21 =	sadd.s32 $0x1, s21;
	s31 =	rddreg [dreg:$0xf]  }
0x100: {  	p1 =	sne.s32 s21, s31  }
.Ltmp3:
0x101: {  	_ = 	snop;
	(pc) =	sbr.rel @p1 .LBB2_1-.Ltmp3, $3  }
0x102: {  	_ =	sdelay $0x1  }
0x103: {  	[sflag:s22] =	ssyncset.done $0x0  }
0x104: {  	[sflag:s22] =	ssyncadd.s32 $0xFFFFC000  }
0x105: {  	_ =	sfence.sel $0x180000  }
0x106: {  	[bflag:$0x0] =	sbarrier.arrive $0xFFFF  }
0x107: {  	_ =	strace $0x90000047  }
0x108: {  	[bflag:$0x2] =	sbarrier.arrive $0xFFFF  }
0x109: {  	s0 =	rddreg [dreg:$0x8]  }
0x10a: {  	s0 =	sadd.s32 @!p0 $0x100000, s0  }
0x10b: {  	[sflag:s0] =	ssyncadd.tile.s32 @!p0 $0x1;
	_ =	shalt  }
.Lfunc_end2:
_tile_overlayer_lowered:
.L_overlay_start_2:
0x10c: {  	(tag) =	ssettag $0x2  }
0x10d: {  	s0 =	rddreg [dreg:$0x0];
	s2 =	stileid.u32  }
0x10e: {  	s1 =	rddreg [dreg:$0x1];
	p0 =	sne.s32 s2, $0x0  }
0x10f: {  	s3 =	rddreg [dreg:$0x2];
	[bflag:$0x3] =	sbarrier.arrive $0xFFFF;
	s2 =	simm.s32 @!p0 $0x1C06  }
0x110: {  	[timem:s3], [sflag:s2] =	dma.local @!p0 [hbm:s0], s1  }
0x111: {  	s0 =	simm.s32 @!p0 $0x6  }
0x112: {  	_ =	swait.ge @!p0 [sflag:s0], s1  }
0x113: {  	s1 =	ssub.s32 @!p0 $0x0, s1;
	[sflag:s0] =	ssyncset.done @!p0 $0x0  }
0x114: {  	[sflag:s0] =	ssyncadd.s32 @!p0 s1  }
0x115: {  	[bflag:$0x3] =	sbarrier.arrive $0xFFFF  }
0x116: {  	_ =	shalt  }

</sc_bundles>
